<compile_context>
chip_gen: v7x
topology: tpu7x:2x2x1
jax: 0.10.2.dev20260603
libtpu: 0.0.44.dev20260713+nightly
codegen_flags: <defaults>
</compile_context>

<pallas_src>
import functools

import jax
import jax.numpy as jnp
from jax import lax
from jax.experimental import pallas as pl
from jax.experimental.pallas import tpu as pltpu
from jax.experimental.pallas import tpu_sc as plsc

L, D = 2048, 768
E, K, H = 8, 2, 1536
TT = 256
NTA = L // TT
TB = 256
NPAD = 6144
NTB = NPAD // TB
NW = 32
TOK_W = L // NW
CH = 32


def _erf(x):
    s = jnp.sign(x)
    a = jnp.abs(x)
    t = 1.0 / (1.0 + 0.3275911 * a)
    poly = t * (0.254829592 + t * (-0.284496736 + t * (1.421413741
           + t * (-1.453152027 + t * 1.061405429))))
    return s * (1.0 - poly * jnp.exp(-a * a))


def _gelu(x):
    c = 0.7978845608028654
    u = c * (x + 0.044715 * x * x * x)
    return 0.5 * x * (1.0 + jnp.tanh(u))



def _gate_body(x_ref, ns_ref, nb_ref, i1_ref, i2_ref, g1_ref, g2_ref,
               xn_ref, d0_ref, d1_ref, te_ref, bal_ref,
               i1_s, i2_s, r1_s, r2_s, cnt_s, gsum_s):
    t = pl.program_id(0)
    row = pl.ds(t * TT, TT)
    iota = lax.broadcasted_iota(jnp.int32, (TT, E), 1)

    xb = x_ref[...]
    mu = jnp.mean(xb, axis=-1, keepdims=True)
    var = jnp.mean((xb - mu) ** 2, axis=-1, keepdims=True)
    xn = (xb - mu) / jnp.sqrt(var + 1e-5) * ns_ref[...] + nb_ref[...]
    xn_ref[...] = xn

    i1 = i1_ref[...]
    i2 = i2_ref[...]
    g1 = g1_ref[...]
    g2 = g2_ref[...]
    i1_s[row, :] = i1
    i2_s[row, :] = i2

    @pl.when(t == 0)
    def _():
        cnt_s[...] = jnp.zeros_like(cnt_s)
        gsum_s[...] = jnp.zeros_like(gsum_s)

    oh1 = (iota == i1).astype(jnp.float32)
    oh2 = (iota == i2).astype(jnp.float32)
    gsum_s[...] += jnp.sum(g1 * oh1 + g2 * oh2, axis=0, keepdims=True)

    ri = lax.broadcasted_iota(jnp.int32, (TT, TT), 0)
    ci = lax.broadcasted_iota(jnp.int32, (TT, TT), 1)
    ltri = (ri >= ci).astype(jnp.float32)
    pre1 = jnp.floor(lax.dot_general(ltri, oh1, (((1,), (0,)), ((), ())),
                                     preferred_element_type=jnp.float32) + 0.5)
    pre2 = jnp.floor(lax.dot_general(ltri, oh2, (((1,), (0,)), ((), ())),
                                     preferred_element_type=jnp.float32) + 0.5)
    cnt = cnt_s[...]
    colsum1 = jnp.sum(oh1, axis=0, keepdims=True)
    colsum2 = jnp.sum(oh2, axis=0, keepdims=True)
    r1 = (jnp.sum(oh1 * (pre1 + cnt), axis=1, keepdims=True) - 1.0)
    r2 = (jnp.sum(oh2 * (pre2 + cnt + colsum1), axis=1, keepdims=True)
          - 1.0)
    r1_s[row, :] = r1
    r2_s[row, :] = r2
    cnt_s[...] = cnt + colsum1 + colsum2

    @pl.when(t == NTA - 1)
    def _():
        load = gsum_s[...] / L
        bal_ref[0, 0] = jnp.mean((load - 1.0 / E) ** 2)

        counts = cnt_s[...]
        cnt_pad = jnp.ceil(counts / TB) * TB
        ei = lax.broadcasted_iota(jnp.int32, (E, E), 0)
        ej = lax.broadcasted_iota(jnp.int32, (E, E), 1)
        stri = (ei < ej).astype(jnp.float32)
        offs = jnp.floor(
            lax.dot_general(cnt_pad, stri, (((1,), (0,)), ((), ())),
                            preferred_element_type=jnp.float32) + 0.5)

        tb_i = (lax.broadcasted_iota(jnp.int32, (NTB, E), 0)
                .astype(jnp.float32) * TB)
        te = jnp.sum((tb_i >= offs).astype(jnp.float32), axis=1,
                     keepdims=True) - 1.0
        te_ref[...] = te.astype(jnp.int32)

        iota_l = lax.broadcasted_iota(jnp.int32, (L, E), 1)
        oh1a = (iota_l == i1_s[...]).astype(jnp.float32)
        oh2a = (iota_l == i2_s[...]).astype(jnp.float32)
        off1 = jnp.sum(oh1a * offs, axis=1, keepdims=True)
        off2 = jnp.sum(oh2a * offs, axis=1, keepdims=True)
        d0_ref[...] = (off1 + r1_s[...] + 0.5).astype(jnp.int32)
        d1_ref[...] = (off2 + r2_s[...] + 0.5).astype(jnp.int32)


def _gating(x_flat, norm_scale, norm_bias, i1c, i2c, g1c, g2c):
    return pl.pallas_call(
        _gate_body,
        grid=(NTA,),
        in_specs=[
            pl.BlockSpec((TT, D), lambda t: (t, 0)),
            pl.BlockSpec((1, D), lambda t: (0, 0)),
            pl.BlockSpec((1, D), lambda t: (0, 0)),
            pl.BlockSpec((TT, 1), lambda t: (t, 0)),
            pl.BlockSpec((TT, 1), lambda t: (t, 0)),
            pl.BlockSpec((TT, 1), lambda t: (t, 0)),
            pl.BlockSpec((TT, 1), lambda t: (t, 0)),
        ],
        out_specs=[
            pl.BlockSpec((TT, D), lambda t: (t, 0)),
            pl.BlockSpec((L, 1), lambda t: (0, 0)),
            pl.BlockSpec((L, 1), lambda t: (0, 0)),
            pl.BlockSpec((NTB, 1), lambda t: (0, 0)),
            pl.BlockSpec(memory_space=pltpu.SMEM),
        ],
        out_shape=[
            jax.ShapeDtypeStruct((L, D), jnp.float32),
            jax.ShapeDtypeStruct((L, 1), jnp.int32),
            jax.ShapeDtypeStruct((L, 1), jnp.int32),
            jax.ShapeDtypeStruct((NTB, 1), jnp.int32),
            jax.ShapeDtypeStruct((1, 1), jnp.float32),
        ],
        scratch_shapes=[
            pltpu.VMEM((L, 1), jnp.int32),
            pltpu.VMEM((L, 1), jnp.int32),
            pltpu.VMEM((L, 1), jnp.float32),
            pltpu.VMEM((L, 1), jnp.float32),
            pltpu.VMEM((1, E), jnp.float32),
            pltpu.VMEM((1, E), jnp.float32),
        ],
    )(x_flat, norm_scale.reshape(1, D), norm_bias.reshape(1, D),
      i1c.reshape(L, 1), i2c.reshape(L, 1), g1c.reshape(L, 1),
      g2c.reshape(L, 1))



def _disp_body(xn_hbm, d0_hbm, d1_hbm, xs_hbm, d0_v, d1_v, rows_v, sem0, sem1):
    wid = lax.axis_index("s") * 2 + lax.axis_index("c")
    base = wid * TOK_W
    pltpu.sync_copy(d0_hbm.at[pl.ds(base, TOK_W)], d0_v)
    pltpu.sync_copy(d1_hbm.at[pl.ds(base, TOK_W)], d1_v)
    pltpu.sync_copy(xn_hbm.at[pl.ds(base, TOK_W)], rows_v)
    c0 = pltpu.async_copy(rows_v, xs_hbm.at[d0_v], sem0)
    c1 = pltpu.async_copy(rows_v, xs_hbm.at[d1_v], sem1)
    c0.wait()
    c1.wait()


@functools.cache
def _dispatch_kernel():
    return pl.kernel(
        _disp_body,
        out_type=jax.ShapeDtypeStruct((NPAD, D), jnp.float32),
        mesh=plsc.VectorSubcoreMesh(core_axis_name="c", subcore_axis_name="s"),
        scratch_types=[
            pltpu.VMEM((TOK_W,), jnp.int32),
            pltpu.VMEM((TOK_W,), jnp.int32),
            pltpu.VMEM((TOK_W, D), jnp.float32),
            pltpu.SemaphoreType.DMA,
            pltpu.SemaphoreType.DMA,
        ],
    )


def _dispatch(xn, d0, d1):
    return _dispatch_kernel()(xn, d0, d1)



def _ffn_body(te_ref, xs_ref, W1_ref, B1_ref, W2_ref, B2_ref, ys_ref):
    xb = xs_ref[...]
    h = lax.dot_general(xb, W1_ref[0], (((1,), (1,)), ((), ())),
                        preferred_element_type=jnp.float32,
                        precision=lax.Precision.DEFAULT)
    h = _gelu(h + B1_ref[0])
    y = lax.dot_general(h, W2_ref[0], (((1,), (1,)), ((), ())),
                        preferred_element_type=jnp.float32,
                        precision=lax.Precision.DEFAULT)
    ys_ref[...] = y + B2_ref[0]


def _grouped_ffn(tile_e, xs, W1, B1, W2, B2):
    grid_spec = pltpu.PrefetchScalarGridSpec(
        num_scalar_prefetch=1,
        grid=(NTB,),
        in_specs=[
            pl.BlockSpec((TB, D), lambda i, te: (i, 0)),
            pl.BlockSpec((1, H, D), lambda i, te: (te[i], 0, 0)),
            pl.BlockSpec((1, 1, H), lambda i, te: (te[i], 0, 0)),
            pl.BlockSpec((1, D, H), lambda i, te: (te[i], 0, 0)),
            pl.BlockSpec((1, 1, D), lambda i, te: (te[i], 0, 0)),
        ],
        out_specs=pl.BlockSpec((TB, D), lambda i, te: (i, 0)),
    )
    return pl.pallas_call(
        _ffn_body,
        grid_spec=grid_spec,
        out_shape=jax.ShapeDtypeStruct((NPAD, D), jnp.float32),
    )(tile_e, xs, W1, B1.reshape(E, 1, H), W2, B2.reshape(E, 1, D))



def _comb_body(x_hbm, ys_hbm, d0_hbm, d1_hbm, g0_hbm, g1_hbm, out_hbm,
               x_v, y0_v, y1_v, d0_v, d1_v, g0_v, g1_v, sem0, sem1):
    wid = lax.axis_index("s") * 2 + lax.axis_index("c")
    base = wid * TOK_W
    for gch in range(TOK_W // CH):
        bt = base + gch * CH
        pltpu.sync_copy(x_hbm.at[pl.ds(bt, CH)], x_v)
        pltpu.sync_copy(d0_hbm.at[pl.ds(bt, CH)], d0_v)
        pltpu.sync_copy(d1_hbm.at[pl.ds(bt, CH)], d1_v)
        pltpu.sync_copy(g0_hbm.at[pl.ds(bt, CH)], g0_v)
        pltpu.sync_copy(g1_hbm.at[pl.ds(bt, CH)], g1_v)
        c0 = pltpu.async_copy(ys_hbm.at[d0_v], y0_v, sem0)
        c1 = pltpu.async_copy(ys_hbm.at[d1_v], y1_v, sem1)
        c0.wait()
        c1.wait()

        def tok_body(i, carry):
            g0s = g0_v[i, :]
            g1s = g1_v[i, :]

            def col_body(c, carry2):
                sl = pl.ds(c * 16, 16)
                x_v[i, sl] = (x_v[i, sl] + g0s * y0_v[i, sl]
                              + g1s * y1_v[i, sl])
                return carry2

            return lax.fori_loop(0, D // 16, col_body, carry)

        lax.fori_loop(0, CH, tok_body, 0)
        pltpu.sync_copy(x_v, out_hbm.at[pl.ds(bt, CH)])


@functools.cache
def _combine_kernel():
    return pl.kernel(
        _comb_body,
        out_type=jax.ShapeDtypeStruct((L, D), jnp.float32),
        mesh=plsc.VectorSubcoreMesh(core_axis_name="c", subcore_axis_name="s"),
        scratch_types=[
            pltpu.VMEM((CH, D), jnp.float32),
            pltpu.VMEM((CH, D), jnp.float32),
            pltpu.VMEM((CH, D), jnp.float32),
            pltpu.VMEM((CH,), jnp.int32),
            pltpu.VMEM((CH,), jnp.int32),
            pltpu.VMEM((CH, 16), jnp.float32),
            pltpu.VMEM((CH, 16), jnp.float32),
            pltpu.SemaphoreType.DMA,
            pltpu.SemaphoreType.DMA,
        ],
    )


def _combine(x_flat, ys, d0, d1, g0, g1):
    return _combine_kernel()(x_flat, ys, d0, d1, g0, g1)



def kernel(x, norm_scale, norm_bias, gate_w, W1, B1, W2, B2):
    x_flat = x.reshape(L, D)
    mu = jnp.mean(x_flat, axis=-1, keepdims=True)
    var = jnp.var(x_flat, axis=-1, keepdims=True)
    xn_sel = (x_flat - mu) / jnp.sqrt(var + 1e-5) * norm_scale + norm_bias
    logits = xn_sel @ gate_w.T
    top_v, top_i = lax.top_k(logits, K)
    top_g = jax.nn.softmax(top_v, axis=-1)
    i1c = top_i[:, 0].astype(jnp.int32)
    i2c = top_i[:, 1].astype(jnp.int32)
    g1c = top_g[:, 0]
    g2c = top_g[:, 1]

    xn, d0, d1, tile_e, bal = _gating(
        x_flat, norm_scale, norm_bias, i1c, i2c, g1c, g2c)
    g1b = jnp.broadcast_to(g1c[:, None], (L, 16))
    g2b = jnp.broadcast_to(g2c[:, None], (L, 16))
    xs = _dispatch(xn, d0.reshape(L), d1.reshape(L))
    ys = _grouped_ffn(tile_e.reshape(NTB), xs, W1, B1, W2, B2)
    out_flat = _combine(x_flat, ys, d0.reshape(L), d1.reshape(L), g1b, g2b)
    return out_flat.reshape(x.shape), bal[0, 0]

# --- scband reference (transcript-rebuilt; emitter-appended) ---
"""Pipeline reference for scband-mixture-of-experts-11836929868214 (READ-ONLY COPY).

The authoritative reference and input builder live on the scoring server;
editing this copy changes nothing except your own understanding.
"""

import jax, jax.numpy as jnp
import numpy as np

B, L, D = 1, 2048, 768
E, K, H = 8, 2, 1536


def setup_inputs(seed: int = 0) -> dict:
    key = jax.random.key(seed)
    ks = jax.random.split(key, 8)
    x = jax.random.normal(ks[0], (B, L, D), dtype=jnp.float32)
    norm_scale = jnp.ones((D,), dtype=jnp.float32)
    norm_bias = jnp.zeros((D,), dtype=jnp.float32)
    gate_w = jax.random.normal(ks[1], (E, D), dtype=jnp.float32) * 0.02
    W1 = jax.random.normal(ks[2], (E, H, D), dtype=jnp.float32) * 0.02
    B1 = jnp.zeros((E, H), dtype=jnp.float32)
    W2 = jax.random.normal(ks[3], (E, D, H), dtype=jnp.float32) * 0.02
    B2 = jnp.zeros((E, D), dtype=jnp.float32)
    return {"x": x, "norm_scale": norm_scale, "norm_bias": norm_bias,
            "gate_w": gate_w, "W1": W1, "B1": B1, "W2": W2, "B2": B2}


def _layernorm(x, scale, bias, eps=1e-5):
    mu = jnp.mean(x, axis=-1, keepdims=True)
    var = jnp.var(x, axis=-1, keepdims=True)
    return (x - mu) / jnp.sqrt(var + eps) * scale + bias


def reference(x, norm_scale, norm_bias, gate_w, W1, B1, W2, B2):
    Bb, Ll, Dd = x.shape
    residual = x
    x_flat = _layernorm(x, norm_scale, norm_bias).reshape(-1, Dd)
    N = x_flat.shape[0]
    # gating (eval mode: no noise)
    logits = x_flat @ gate_w.T  # (N, E)
    top_v, top_i = jax.lax.top_k(logits, K)
    top_g = jax.nn.softmax(top_v, axis=-1)
    gates = jnp.zeros_like(logits).at[jnp.arange(N)[:, None], top_i].set(top_g)
    # experts: dense compute weighted by sparse gates (math-equivalent to masked dispatch)
    output = jnp.zeros_like(x_flat)
    for e in range(E):
        h = jax.nn.gelu(x_flat @ W1[e].T + B1[e], approximate=False)
        oe = h @ W2[e].T + B2[e]
        output = output + gates[:, e:e + 1] * oe
    expert_load = gates.mean(axis=0)
    target = jnp.full_like(expert_load, 1.0 / E)
    bal_loss = jnp.mean((expert_load - target) ** 2)
    out = output.reshape(Bb, Ll, Dd) + residual
    return out, bal_loss

if __name__ == "__main__":
    import jax
    _d = setup_inputs()
    print(jax.jit(kernel)(*tuple(_d.values())))

</pallas_src>

<mosaic_0001>
#map = affine_map<(d0, d1) -> (0, 0)>
#map1 = affine_map<(d0, d1) -> (0)>
module attributes {stable_mosaic.version = 14 : i64} {
  func.func @_comb_body(%arg0: i32, %arg1: i32, %arg2: memref<2048x768xf32, #tpu.memory_space<hbm>>, %arg3: memref<6144x768xf32, #tpu.memory_space<hbm>>, %arg4: memref<2048xi32, #tpu.memory_space<hbm>>, %arg5: memref<2048xi32, #tpu.memory_space<hbm>>, %arg6: memref<2048x16xf32, #tpu.memory_space<hbm>>, %arg7: memref<2048x16xf32, #tpu.memory_space<hbm>>, %arg8: memref<2048x768xf32, #tpu.memory_space<hbm>>, %arg9: memref<32x768xf32, #tpu.memory_space<vmem>>, %arg10: memref<32x768xf32, #tpu.memory_space<vmem>>, %arg11: memref<32x768xf32, #tpu.memory_space<vmem>>, %arg12: memref<32xi32, #tpu.memory_space<vmem>>, %arg13: memref<32xi32, #tpu.memory_space<vmem>>, %arg14: memref<32x16xf32, #tpu.memory_space<vmem>>, %arg15: memref<32x16xf32, #tpu.memory_space<vmem>>, %arg16: memref<!tpu.dma_semaphore, #tpu.memory_space<semaphore_mem>>, %arg17: memref<!tpu.dma_semaphore, #tpu.memory_space<semaphore_mem>>) attributes {dimension_semantics = [#tpu.dimension_semantics<core_parallel>, #tpu.dimension_semantics<subcore_parallel>], iteration_bounds = array<i64: 2, 16>, scalar_prefetch = 0 : i64, scratch_operands = 9 : i64, tpu.core_type = #tpu.core_type<sc_vector_subcore>, window_params = [{transform_indices = #map}, {transform_indices = #map}, {transform_indices = #map1}, {transform_indices = #map1}, {transform_indices = #map}, {transform_indices = #map}, {transform_indices = #map}]} {
    %mul3A = arith.constant 2 : i32
    %mul3A_0 = arith.muli %arg1, %mul3A : i32
    %add3A = arith.addi %mul3A_0, %arg0 : i32
    %mul3A_1 = arith.constant 64 : i32
    %mul3A_2 = arith.muli %add3A, %mul3A_1 : i32
    %add3A_3 = arith.constant 0 : i32
    %add3A_4 = arith.addi %mul3A_2, %add3A_3 : i32
    "tpu.region"() ({
      %run_scoped3A = tpu.sem_alloc : memref<!tpu.dma_semaphore, #tpu.memory_space<semaphore_mem>>
      %dma_start3A_40 = arith.constant 0 : i32
      %dma_start3A_41 = tpu.memref_slice %arg2[%add3A_4, %dma_start3A_40] : memref<2048x768xf32, #tpu.memory_space<hbm>> -> memref<32x768xf32, #tpu.memory_space<hbm>>
      %dma_start3A_42 = arith.constant 0 : i32
      %dma_start3A_43 = tpu.memref_slice %arg2[%add3A_4, %dma_start3A_42] : memref<2048x768xf32, #tpu.memory_space<hbm>> -> memref<32x768xf32, #tpu.memory_space<hbm>>
      tpu.enqueue_dma source(%dma_start3A_43 : memref<32x768xf32, #tpu.memory_space<hbm>>) target(%arg9 : memref<32x768xf32, #tpu.memory_space<vmem>>) target_semaphore(%run_scoped3A : memref<!tpu.dma_semaphore, #tpu.memory_space<semaphore_mem>>)
      %dma_wait3A_44 = arith.constant 0 : i32
      %dma_wait3A_45 = tpu.memref_slice %arg2[%add3A_4, %dma_wait3A_44] : memref<2048x768xf32, #tpu.memory_space<hbm>> -> memref<32x768xf32, #tpu.memory_space<hbm>>
      %dma_wait3A_46 = arith.constant 0 : i32
      %dma_wait3A_47 = tpu.memref_slice %arg2[%add3A_4, %dma_wait3A_46] : memref<2048x768xf32, #tpu.memory_space<hbm>> -> memref<32x768xf32, #tpu.memory_space<hbm>>
      tpu.wait_dma2 semaphore(%run_scoped3A : memref<!tpu.dma_semaphore, #tpu.memory_space<semaphore_mem>>) src(%dma_wait3A_47 : memref<32x768xf32, #tpu.memory_space<hbm>>) dst(%arg9 : memref<32x768xf32, #tpu.memory_space<vmem>>)
      tpu.yield
    }) : () -> ()
    "tpu.region"() ({
      %run_scoped3A = tpu.sem_alloc : memref<!tpu.dma_semaphore, #tpu.memory_space<semaphore_mem>>
      %dma_start3A_40 = tpu.memref_slice %arg4[%add3A_4] : memref<2048xi32, #tpu.memory_space<hbm>> -> memref<32xi32, #tpu.memory_space<hbm>>
      %dma_start3A_41 = tpu.memref_slice %arg4[%add3A_4] : memref<2048xi32, #tpu.memory_space<hbm>> -> memref<32xi32, #tpu.memory_space<hbm>>
      tpu.enqueue_dma source(%dma_start3A_41 : memref<32xi32, #tpu.memory_space<hbm>>) target(%arg12 : memref<32xi32, #tpu.memory_space<vmem>>) target_semaphore(%run_scoped3A : memref<!tpu.dma_semaphore, #tpu.memory_space<semaphore_mem>>)
      %dma_wait3A_42 = tpu.memref_slice %arg4[%add3A_4] : memref<2048xi32, #tpu.memory_space<hbm>> -> memref<32xi32, #tpu.memory_space<hbm>>
      %dma_wait3A_43 = tpu.memref_slice %arg4[%add3A_4] : memref<2048xi32, #tpu.memory_space<hbm>> -> memref<32xi32, #tpu.memory_space<hbm>>
      tpu.wait_dma2 semaphore(%run_scoped3A : memref<!tpu.dma_semaphore, #tpu.memory_space<semaphore_mem>>) src(%dma_wait3A_43 : memref<32xi32, #tpu.memory_space<hbm>>) dst(%arg12 : memref<32xi32, #tpu.memory_space<vmem>>)
      tpu.yield
    }) : () -> ()
    "tpu.region"() ({
      %run_scoped3A = tpu.sem_alloc : memref<!tpu.dma_semaphore, #tpu.memory_space<semaphore_mem>>
      %dma_start3A_40 = tpu.memref_slice %arg5[%add3A_4] : memref<2048xi32, #tpu.memory_space<hbm>> -> memref<32xi32, #tpu.memory_space<hbm>>
      %dma_start3A_41 = tpu.memref_slice %arg5[%add3A_4] : memref<2048xi32, #tpu.memory_space<hbm>> -> memref<32xi32, #tpu.memory_space<hbm>>
      tpu.enqueue_dma source(%dma_start3A_41 : memref<32xi32, #tpu.memory_space<hbm>>) target(%arg13 : memref<32xi32, #tpu.memory_space<vmem>>) target_semaphore(%run_scoped3A : memref<!tpu.dma_semaphore, #tpu.memory_space<semaphore_mem>>)
      %dma_wait3A_42 = tpu.memref_slice %arg5[%add3A_4] : memref<2048xi32, #tpu.memory_space<hbm>> -> memref<32xi32, #tpu.memory_space<hbm>>
      %dma_wait3A_43 = tpu.memref_slice %arg5[%add3A_4] : memref<2048xi32, #tpu.memory_space<hbm>> -> memref<32xi32, #tpu.memory_space<hbm>>
      tpu.wait_dma2 semaphore(%run_scoped3A : memref<!tpu.dma_semaphore, #tpu.memory_space<semaphore_mem>>) src(%dma_wait3A_43 : memref<32xi32, #tpu.memory_space<hbm>>) dst(%arg13 : memref<32xi32, #tpu.memory_space<vmem>>)
      tpu.yield
    }) : () -> ()
    "tpu.region"() ({
      %run_scoped3A = tpu.sem_alloc : memref<!tpu.dma_semaphore, #tpu.memory_space<semaphore_mem>>
      %dma_start3A_40 = arith.constant 0 : i32
      %dma_start3A_41 = tpu.memref_slice %arg6[%add3A_4, %dma_start3A_40] : memref<2048x16xf32, #tpu.memory_space<hbm>> -> memref<32x16xf32, #tpu.memory_space<hbm>>
      %dma_start3A_42 = arith.constant 0 : i32
      %dma_start3A_43 = tpu.memref_slice %arg6[%add3A_4, %dma_start3A_42] : memref<2048x16xf32, #tpu.memory_space<hbm>> -> memref<32x16xf32, #tpu.memory_space<hbm>>
      tpu.enqueue_dma source(%dma_start3A_43 : memref<32x16xf32, #tpu.memory_space<hbm>>) target(%arg14 : memref<32x16xf32, #tpu.memory_space<vmem>>) target_semaphore(%run_scoped3A : memref<!tpu.dma_semaphore, #tpu.memory_space<semaphore_mem>>)
      %dma_wait3A_44 = arith.constant 0 : i32
      %dma_wait3A_45 = tpu.memref_slice %arg6[%add3A_4, %dma_wait3A_44] : memref<2048x16xf32, #tpu.memory_space<hbm>> -> memref<32x16xf32, #tpu.memory_space<hbm>>
      %dma_wait3A_46 = arith.constant 0 : i32
      %dma_wait3A_47 = tpu.memref_slice %arg6[%add3A_4, %dma_wait3A_46] : memref<2048x16xf32, #tpu.memory_space<hbm>> -> memref<32x16xf32, #tpu.memory_space<hbm>>
      tpu.wait_dma2 semaphore(%run_scoped3A : memref<!tpu.dma_semaphore, #tpu.memory_space<semaphore_mem>>) src(%dma_wait3A_47 : memref<32x16xf32, #tpu.memory_space<hbm>>) dst(%arg14 : memref<32x16xf32, #tpu.memory_space<vmem>>)
      tpu.yield
    }) : () -> ()
    "tpu.region"() ({
      %run_scoped3A = tpu.sem_alloc : memref<!tpu.dma_semaphore, #tpu.memory_space<semaphore_mem>>
      %dma_start3A_40 = arith.constant 0 : i32
      %dma_start3A_41 = tpu.memref_slice %arg7[%add3A_4, %dma_start3A_40] : memref<2048x16xf32, #tpu.memory_space<hbm>> -> memref<32x16xf32, #tpu.memory_space<hbm>>
      %dma_start3A_42 = arith.constant 0 : i32
      %dma_start3A_43 = tpu.memref_slice %arg7[%add3A_4, %dma_start3A_42] : memref<2048x16xf32, #tpu.memory_space<hbm>> -> memref<32x16xf32, #tpu.memory_space<hbm>>
      tpu.enqueue_dma source(%dma_start3A_43 : memref<32x16xf32, #tpu.memory_space<hbm>>) target(%arg15 : memref<32x16xf32, #tpu.memory_space<vmem>>) target_semaphore(%run_scoped3A : memref<!tpu.dma_semaphore, #tpu.memory_space<semaphore_mem>>)
      %dma_wait3A_44 = arith.constant 0 : i32
      %dma_wait3A_45 = tpu.memref_slice %arg7[%add3A_4, %dma_wait3A_44] : memref<2048x16xf32, #tpu.memory_space<hbm>> -> memref<32x16xf32, #tpu.memory_space<hbm>>
      %dma_wait3A_46 = arith.constant 0 : i32
      %dma_wait3A_47 = tpu.memref_slice %arg7[%add3A_4, %dma_wait3A_46] : memref<2048x16xf32, #tpu.memory_space<hbm>> -> memref<32x16xf32, #tpu.memory_space<hbm>>
      tpu.wait_dma2 semaphore(%run_scoped3A : memref<!tpu.dma_semaphore, #tpu.memory_space<semaphore_mem>>) src(%dma_wait3A_47 : memref<32x16xf32, #tpu.memory_space<hbm>>) dst(%arg15 : memref<32x16xf32, #tpu.memory_space<vmem>>)
      tpu.yield
    }) : () -> ()
    %dma_start3A = arith.constant 0 : i32
    %dma_start3A_5 = arith.constant 0 : i32
    %dma_start3A_6 = tpu.memref_slice %arg3[%dma_start3A, %dma_start3A_5] : memref<6144x768xf32, #tpu.memory_space<hbm>> -> memref<6144x768xf32, #tpu.memory_space<hbm>>
    tpu.enqueue_indirect_dma source(%dma_start3A_6 : memref<6144x768xf32, #tpu.memory_space<hbm>>) target(%arg10 : memref<32x768xf32, #tpu.memory_space<vmem>>) offsets(%arg12 : memref<32xi32, #tpu.memory_space<vmem>>) semaphore(%arg16 : memref<!tpu.dma_semaphore, #tpu.memory_space<semaphore_mem>>)
    %dma_start3A_7 = arith.constant 0 : i32
    %dma_start3A_8 = arith.constant 0 : i32
    %dma_start3A_9 = tpu.memref_slice %arg3[%dma_start3A_7, %dma_start3A_8] : memref<6144x768xf32, #tpu.memory_space<hbm>> -> memref<6144x768xf32, #tpu.memory_space<hbm>>
    tpu.enqueue_indirect_dma source(%dma_start3A_9 : memref<6144x768xf32, #tpu.memory_space<hbm>>) target(%arg11 : memref<32x768xf32, #tpu.memory_space<vmem>>) offsets(%arg13 : memref<32xi32, #tpu.memory_space<vmem>>) semaphore(%arg17 : memref<!tpu.dma_semaphore, #tpu.memory_space<semaphore_mem>>)
    %dma_wait3A = arith.constant 0 : i32
    %dma_wait3A_10 = arith.constant 0 : i32
    %dma_wait3A_11 = tpu.memref_slice %arg3[%dma_wait3A, %dma_wait3A_10] : memref<6144x768xf32, #tpu.memory_space<hbm>> -> memref<6144x768xf32, #tpu.memory_space<hbm>>
    tpu.wait_indirect_dma semaphore(%arg16 : memref<!tpu.dma_semaphore, #tpu.memory_space<semaphore_mem>>) src(%dma_wait3A_11 : memref<6144x768xf32, #tpu.memory_space<hbm>>) dst(%arg10 : memref<32x768xf32, #tpu.memory_space<vmem>>)
    %dma_wait3A_12 = arith.constant 0 : i32
    %dma_wait3A_13 = arith.constant 0 : i32
    %dma_wait3A_14 = tpu.memref_slice %arg3[%dma_wait3A_12, %dma_wait3A_13] : memref<6144x768xf32, #tpu.memory_space<hbm>> -> memref<6144x768xf32, #tpu.memory_space<hbm>>
    tpu.wait_indirect_dma semaphore(%arg17 : memref<!tpu.dma_semaphore, #tpu.memory_space<semaphore_mem>>) src(%dma_wait3A_14 : memref<6144x768xf32, #tpu.memory_space<hbm>>) dst(%arg11 : memref<32x768xf32, #tpu.memory_space<vmem>>)
    %scan3A = arith.constant 0 : i32
    %scan3A_15 = arith.constant 0 : i32
    %scan3A_16 = arith.constant 32 : i32
    %scan3A_17 = arith.addi %scan3A_15, %scan3A_16 : i32
    %scan3A_18 = arith.constant 1 : i32
    scf.for %scan3A_40 = %scan3A_15 to %scan3A_17 step %scan3A_18  : i32 {
      %get3A = arith.index_cast %scan3A_40 : i32 to index
      %get3A_41 = arith.constant 0 : index
      %get3A_42 = tpu.vector_load %arg14[%get3A, %get3A_41] {strides = array<i32>} : memref<32x16xf32, #tpu.memory_space<vmem>>, vector<1x16xf32>,
      %get3A_43 = vector.shape_cast %get3A_42 : vector<1x16xf32> to vector<16xf32>
      %get3A_44 = arith.index_cast %scan3A_40 : i32 to index
      %get3A_45 = arith.constant 0 : index
      %get3A_46 = tpu.vector_load %arg15[%get3A_44, %get3A_45] {strides = array<i32>} : memref<32x16xf32, #tpu.memory_space<vmem>>, vector<1x16xf32>,
      %get3A_47 = vector.shape_cast %get3A_46 : vector<1x16xf32> to vector<16xf32>
      %scan3A_48 = arith.constant 0 : i32
      %scan3A_49 = arith.constant 48 : i32
      %scan3A_50 = arith.addi %scan3A_48, %scan3A_49 : i32
      %scan3A_51 = arith.constant 1 : i32
      scf.for %scan3A_53 = %scan3A_48 to %scan3A_50 step %scan3A_51  : i32 {
        %mul3A_54 = arith.constant 16 : i32
        %mul3A_55 = arith.muli %scan3A_53, %mul3A_54 : i32
        %get3A_56 = arith.index_cast %scan3A_40 : i32 to index
        %get3A_57 = arith.index_cast %mul3A_55 : i32 to index
        %get3A_58 = tpu.vector_load %arg9[%get3A_56, %get3A_57] {strides = array<i32>} : memref<32x768xf32, #tpu.memory_space<vmem>>, vector<1x16xf32>,
        %get3A_59 = vector.shape_cast %get3A_58 : vector<1x16xf32> to vector<16xf32>
        %get3A_60 = arith.index_cast %scan3A_40 : i32 to index
        %get3A_61 = arith.index_cast %mul3A_55 : i32 to index
        %get3A_62 = tpu.vector_load %arg10[%get3A_60, %get3A_61] {strides = array<i32>} : memref<32x768xf32, #tpu.memory_space<vmem>>, vector<1x16xf32>,
        %get3A_63 = vector.shape_cast %get3A_62 : vector<1x16xf32> to vector<16xf32>
        %mul3A_64 = arith.mulf %get3A_43, %get3A_63 : vector<16xf32>
        %add3A_65 = arith.addf %get3A_59, %mul3A_64 : vector<16xf32>
        %get3A_66 = arith.index_cast %scan3A_40 : i32 to index
        %get3A_67 = arith.index_cast %mul3A_55 : i32 to index
        %get3A_68 = tpu.vector_load %arg11[%get3A_66, %get3A_67] {strides = array<i32>} : memref<32x768xf32, #tpu.memory_space<vmem>>, vector<1x16xf32>,
        %get3A_69 = vector.shape_cast %get3A_68 : vector<1x16xf32> to vector<16xf32>
        %mul3A_70 = arith.mulf %get3A_47, %get3A_69 : vector<16xf32>
        %add3A_71 = arith.addf %add3A_65, %mul3A_70 : vector<16xf32>
        %swap3A = arith.index_cast %scan3A_40 : i32 to index
        %swap3A_72 = arith.index_cast %mul3A_55 : i32 to index
        %swap3A_73 = tpu.vector_load %arg9[%swap3A, %swap3A_72] {strides = array<i32>} : memref<32x768xf32, #tpu.memory_space<vmem>>, vector<1x16xf32>,
        %swap3A_74 = vector.shape_cast %swap3A_73 : vector<1x16xf32> to vector<16xf32>
        %swap3A_75 = vector.shape_cast %add3A_71 : vector<16xf32> to vector<1x16xf32>
        tpu.vector_store %arg9[%swap3A, %swap3A_72], %swap3A_75 {strides = array<i32>} : memref<32x768xf32, #tpu.memory_space<vmem>>, vector<1x16xf32>,
      }
      %scan3A_52 = arith.constant 48 : i32
    }
    %scan3A_19 = arith.constant 32 : i32
    "tpu.region"() ({
      %run_scoped3A = tpu.sem_alloc : memref<!tpu.dma_semaphore, #tpu.memory_space<semaphore_mem>>
      %dma_start3A_40 = arith.constant 0 : i32
      %dma_start3A_41 = tpu.memref_slice %arg8[%add3A_4, %dma_start3A_40] : memref<2048x768xf32, #tpu.memory_space<hbm>> -> memref<32x768xf32, #tpu.memory_space<hbm>>
      %dma_start3A_42 = arith.constant 0 : i32
      %dma_start3A_43 = tpu.memref_slice %arg8[%add3A_4, %dma_start3A_42] : memref<2048x768xf32, #tpu.memory_space<hbm>> -> memref<32x768xf32, #tpu.memory_space<hbm>>
      tpu.enqueue_dma source(%arg9 : memref<32x768xf32, #tpu.memory_space<vmem>>) target(%dma_start3A_43 : memref<32x768xf32, #tpu.memory_space<hbm>>) target_semaphore(%run_scoped3A : memref<!tpu.dma_semaphore, #tpu.memory_space<semaphore_mem>>)
      %dma_wait3A_44 = arith.constant 0 : i32
      %dma_wait3A_45 = tpu.memref_slice %arg8[%add3A_4, %dma_wait3A_44] : memref<2048x768xf32, #tpu.memory_space<hbm>> -> memref<32x768xf32, #tpu.memory_space<hbm>>
      %dma_wait3A_46 = arith.constant 0 : i32
      %dma_wait3A_47 = tpu.memref_slice %arg8[%add3A_4, %dma_wait3A_46] : memref<2048x768xf32, #tpu.memory_space<hbm>> -> memref<32x768xf32, #tpu.memory_space<hbm>>
      tpu.wait_dma2 semaphore(%run_scoped3A : memref<!tpu.dma_semaphore, #tpu.memory_space<semaphore_mem>>) src(%arg9 : memref<32x768xf32, #tpu.memory_space<vmem>>) dst(%dma_wait3A_47 : memref<32x768xf32, #tpu.memory_space<hbm>>)
      tpu.yield
    }) : () -> ()
    %add3A_20 = arith.constant 32 : i32
    %add3A_21 = arith.addi %mul3A_2, %add3A_20 : i32
    "tpu.region"() ({
      %run_scoped3A = tpu.sem_alloc : memref<!tpu.dma_semaphore, #tpu.memory_space<semaphore_mem>>
      %dma_start3A_40 = arith.constant 0 : i32
      %dma_start3A_41 = tpu.memref_slice %arg2[%add3A_21, %dma_start3A_40] : memref<2048x768xf32, #tpu.memory_space<hbm>> -> memref<32x768xf32, #tpu.memory_space<hbm>>
      %dma_start3A_42 = arith.constant 0 : i32
      %dma_start3A_43 = tpu.memref_slice %arg2[%add3A_21, %dma_start3A_42] : memref<2048x768xf32, #tpu.memory_space<hbm>> -> memref<32x768xf32, #tpu.memory_space<hbm>>
      tpu.enqueue_dma source(%dma_start3A_43 : memref<32x768xf32, #tpu.memory_space<hbm>>) target(%arg9 : memref<32x768xf32, #tpu.memory_space<vmem>>) target_semaphore(%run_scoped3A : memref<!tpu.dma_semaphore, #tpu.memory_space<semaphore_mem>>)
      %dma_wait3A_44 = arith.constant 0 : i32
      %dma_wait3A_45 = tpu.memref_slice %arg2[%add3A_21, %dma_wait3A_44] : memref<2048x768xf32, #tpu.memory_space<hbm>> -> memref<32x768xf32, #tpu.memory_space<hbm>>
      %dma_wait3A_46 = arith.constant 0 : i32
      %dma_wait3A_47 = tpu.memref_slice %arg2[%add3A_21, %dma_wait3A_46] : memref<2048x768xf32, #tpu.memory_space<hbm>> -> memref<32x768xf32, #tpu.memory_space<hbm>>
      tpu.wait_dma2 semaphore(%run_scoped3A : memref<!tpu.dma_semaphore, #tpu.memory_space<semaphore_mem>>) src(%dma_wait3A_47 : memref<32x768xf32, #tpu.memory_space<hbm>>) dst(%arg9 : memref<32x768xf32, #tpu.memory_space<vmem>>)
      tpu.yield
    }) : () -> ()
    "tpu.region"() ({
      %run_scoped3A = tpu.sem_alloc : memref<!tpu.dma_semaphore, #tpu.memory_space<semaphore_mem>>
      %dma_start3A_40 = tpu.memref_slice %arg4[%add3A_21] : memref<2048xi32, #tpu.memory_space<hbm>> -> memref<32xi32, #tpu.memory_space<hbm>>
      %dma_start3A_41 = tpu.memref_slice %arg4[%add3A_21] : memref<2048xi32, #tpu.memory_space<hbm>> -> memref<32xi32, #tpu.memory_space<hbm>>
      tpu.enqueue_dma source(%dma_start3A_41 : memref<32xi32, #tpu.memory_space<hbm>>) target(%arg12 : memref<32xi32, #tpu.memory_space<vmem>>) target_semaphore(%run_scoped3A : memref<!tpu.dma_semaphore, #tpu.memory_space<semaphore_mem>>)
      %dma_wait3A_42 = tpu.memref_slice %arg4[%add3A_21] : memref<2048xi32, #tpu.memory_space<hbm>> -> memref<32xi32, #tpu.memory_space<hbm>>
      %dma_wait3A_43 = tpu.memref_slice %arg4[%add3A_21] : memref<2048xi32, #tpu.memory_space<hbm>> -> memref<32xi32, #tpu.memory_space<hbm>>
      tpu.wait_dma2 semaphore(%run_scoped3A : memref<!tpu.dma_semaphore, #tpu.memory_space<semaphore_mem>>) src(%dma_wait3A_43 : memref<32xi32, #tpu.memory_space<hbm>>) dst(%arg12 : memref<32xi32, #tpu.memory_space<vmem>>)
      tpu.yield
    }) : () -> ()
    "tpu.region"() ({
      %run_scoped3A = tpu.sem_alloc : memref<!tpu.dma_semaphore, #tpu.memory_space<semaphore_mem>>
      %dma_start3A_40 = tpu.memref_slice %arg5[%add3A_21] : memref<2048xi32, #tpu.memory_space<hbm>> -> memref<32xi32, #tpu.memory_space<hbm>>
      %dma_start3A_41 = tpu.memref_slice %arg5[%add3A_21] : memref<2048xi32, #tpu.memory_space<hbm>> -> memref<32xi32, #tpu.memory_space<hbm>>
      tpu.enqueue_dma source(%dma_start3A_41 : memref<32xi32, #tpu.memory_space<hbm>>) target(%arg13 : memref<32xi32, #tpu.memory_space<vmem>>) target_semaphore(%run_scoped3A : memref<!tpu.dma_semaphore, #tpu.memory_space<semaphore_mem>>)
      %dma_wait3A_42 = tpu.memref_slice %arg5[%add3A_21] : memref<2048xi32, #tpu.memory_space<hbm>> -> memref<32xi32, #tpu.memory_space<hbm>>
      %dma_wait3A_43 = tpu.memref_slice %arg5[%add3A_21] : memref<2048xi32, #tpu.memory_space<hbm>> -> memref<32xi32, #tpu.memory_space<hbm>>
      tpu.wait_dma2 semaphore(%run_scoped3A : memref<!tpu.dma_semaphore, #tpu.memory_space<semaphore_mem>>) src(%dma_wait3A_43 : memref<32xi32, #tpu.memory_space<hbm>>) dst(%arg13 : memref<32xi32, #tpu.memory_space<vmem>>)
      tpu.yield
    }) : () -> ()
    "tpu.region"() ({
      %run_scoped3A = tpu.sem_alloc : memref<!tpu.dma_semaphore, #tpu.memory_space<semaphore_mem>>
      %dma_start3A_40 = arith.constant 0 : i32
      %dma_start3A_41 = tpu.memref_slice %arg6[%add3A_21, %dma_start3A_40] : memref<2048x16xf32, #tpu.memory_space<hbm>> -> memref<32x16xf32, #tpu.memory_space<hbm>>
      %dma_start3A_42 = arith.constant 0 : i32
      %dma_start3A_43 = tpu.memref_slice %arg6[%add3A_21, %dma_start3A_42] : memref<2048x16xf32, #tpu.memory_space<hbm>> -> memref<32x16xf32, #tpu.memory_space<hbm>>
      tpu.enqueue_dma source(%dma_start3A_43 : memref<32x16xf32, #tpu.memory_space<hbm>>) target(%arg14 : memref<32x16xf32, #tpu.memory_space<vmem>>) target_semaphore(%run_scoped3A : memref<!tpu.dma_semaphore, #tpu.memory_space<semaphore_mem>>)
      %dma_wait3A_44 = arith.constant 0 : i32
      %dma_wait3A_45 = tpu.memref_slice %arg6[%add3A_21, %dma_wait3A_44] : memref<2048x16xf32, #tpu.memory_space<hbm>> -> memref<32x16xf32, #tpu.memory_space<hbm>>
      %dma_wait3A_46 = arith.constant 0 : i32
      %dma_wait3A_47 = tpu.memref_slice %arg6[%add3A_21, %dma_wait3A_46] : memref<2048x16xf32, #tpu.memory_space<hbm>> -> memref<32x16xf32, #tpu.memory_space<hbm>>
      tpu.wait_dma2 semaphore(%run_scoped3A : memref<!tpu.dma_semaphore, #tpu.memory_space<semaphore_mem>>) src(%dma_wait3A_47 : memref<32x16xf32, #tpu.memory_space<hbm>>) dst(%arg14 : memref<32x16xf32, #tpu.memory_space<vmem>>)
      tpu.yield
    }) : () -> ()
    "tpu.region"() ({
      %run_scoped3A = tpu.sem_alloc : memref<!tpu.dma_semaphore, #tpu.memory_space<semaphore_mem>>
      %dma_start3A_40 = arith.constant 0 : i32
      %dma_start3A_41 = tpu.memref_slice %arg7[%add3A_21, %dma_start3A_40] : memref<2048x16xf32, #tpu.memory_space<hbm>> -> memref<32x16xf32, #tpu.memory_space<hbm>>
      %dma_start3A_42 = arith.constant 0 : i32
      %dma_start3A_43 = tpu.memref_slice %arg7[%add3A_21, %dma_start3A_42] : memref<2048x16xf32, #tpu.memory_space<hbm>> -> memref<32x16xf32, #tpu.memory_space<hbm>>
      tpu.enqueue_dma source(%dma_start3A_43 : memref<32x16xf32, #tpu.memory_space<hbm>>) target(%arg15 : memref<32x16xf32, #tpu.memory_space<vmem>>) target_semaphore(%run_scoped3A : memref<!tpu.dma_semaphore, #tpu.memory_space<semaphore_mem>>)
      %dma_wait3A_44 = arith.constant 0 : i32
      %dma_wait3A_45 = tpu.memref_slice %arg7[%add3A_21, %dma_wait3A_44] : memref<2048x16xf32, #tpu.memory_space<hbm>> -> memref<32x16xf32, #tpu.memory_space<hbm>>
      %dma_wait3A_46 = arith.constant 0 : i32
      %dma_wait3A_47 = tpu.memref_slice %arg7[%add3A_21, %dma_wait3A_46] : memref<2048x16xf32, #tpu.memory_space<hbm>> -> memref<32x16xf32, #tpu.memory_space<hbm>>
      tpu.wait_dma2 semaphore(%run_scoped3A : memref<!tpu.dma_semaphore, #tpu.memory_space<semaphore_mem>>) src(%dma_wait3A_47 : memref<32x16xf32, #tpu.memory_space<hbm>>) dst(%arg15 : memref<32x16xf32, #tpu.memory_space<vmem>>)
      tpu.yield
    }) : () -> ()
    %dma_start3A_22 = arith.constant 0 : i32
    %dma_start3A_23 = arith.constant 0 : i32
    %dma_start3A_24 = tpu.memref_slice %arg3[%dma_start3A_22, %dma_start3A_23] : memref<6144x768xf32, #tpu.memory_space<hbm>> -> memref<6144x768xf32, #tpu.memory_space<hbm>>
    tpu.enqueue_indirect_dma source(%dma_start3A_24 : memref<6144x768xf32, #tpu.memory_space<hbm>>) target(%arg10 : memref<32x768xf32, #tpu.memory_space<vmem>>) offsets(%arg12 : memref<32xi32, #tpu.memory_space<vmem>>) semaphore(%arg16 : memref<!tpu.dma_semaphore, #tpu.memory_space<semaphore_mem>>)
    %dma_start3A_25 = arith.constant 0 : i32
    %dma_start3A_26 = arith.constant 0 : i32
    %dma_start3A_27 = tpu.memref_slice %arg3[%dma_start3A_25, %dma_start3A_26] : memref<6144x768xf32, #tpu.memory_space<hbm>> -> memref<6144x768xf32, #tpu.memory_space<hbm>>
    tpu.enqueue_indirect_dma source(%dma_start3A_27 : memref<6144x768xf32, #tpu.memory_space<hbm>>) target(%arg11 : memref<32x768xf32, #tpu.memory_space<vmem>>) offsets(%arg13 : memref<32xi32, #tpu.memory_space<vmem>>) semaphore(%arg17 : memref<!tpu.dma_semaphore, #tpu.memory_space<semaphore_mem>>)
    %dma_wait3A_28 = arith.constant 0 : i32
    %dma_wait3A_29 = arith.constant 0 : i32
    %dma_wait3A_30 = tpu.memref_slice %arg3[%dma_wait3A_28, %dma_wait3A_29] : memref<6144x768xf32, #tpu.memory_space<hbm>> -> memref<6144x768xf32, #tpu.memory_space<hbm>>
    tpu.wait_indirect_dma semaphore(%arg16 : memref<!tpu.dma_semaphore, #tpu.memory_space<semaphore_mem>>) src(%dma_wait3A_30 : memref<6144x768xf32, #tpu.memory_space<hbm>>) dst(%arg10 : memref<32x768xf32, #tpu.memory_space<vmem>>)
    %dma_wait3A_31 = arith.constant 0 : i32
    %dma_wait3A_32 = arith.constant 0 : i32
    %dma_wait3A_33 = tpu.memref_slice %arg3[%dma_wait3A_31, %dma_wait3A_32] : memref<6144x768xf32, #tpu.memory_space<hbm>> -> memref<6144x768xf32, #tpu.memory_space<hbm>>
    tpu.wait_indirect_dma semaphore(%arg17 : memref<!tpu.dma_semaphore, #tpu.memory_space<semaphore_mem>>) src(%dma_wait3A_33 : memref<6144x768xf32, #tpu.memory_space<hbm>>) dst(%arg11 : memref<32x768xf32, #tpu.memory_space<vmem>>)
    %scan3A_34 = arith.constant 0 : i32
    %scan3A_35 = arith.constant 0 : i32
    %scan3A_36 = arith.constant 32 : i32
    %scan3A_37 = arith.addi %scan3A_35, %scan3A_36 : i32
    %scan3A_38 = arith.constant 1 : i32
    scf.for %scan3A_40 = %scan3A_35 to %scan3A_37 step %scan3A_38  : i32 {
      %get3A = arith.index_cast %scan3A_40 : i32 to index
      %get3A_41 = arith.constant 0 : index
      %get3A_42 = tpu.vector_load %arg14[%get3A, %get3A_41] {strides = array<i32>} : memref<32x16xf32, #tpu.memory_space<vmem>>, vector<1x16xf32>,
      %get3A_43 = vector.shape_cast %get3A_42 : vector<1x16xf32> to vector<16xf32>
      %get3A_44 = arith.index_cast %scan3A_40 : i32 to index
      %get3A_45 = arith.constant 0 : index
      %get3A_46 = tpu.vector_load %arg15[%get3A_44, %get3A_45] {strides = array<i32>} : memref<32x16xf32, #tpu.memory_space<vmem>>, vector<1x16xf32>,
      %get3A_47 = vector.shape_cast %get3A_46 : vector<1x16xf32> to vector<16xf32>
      %scan3A_48 = arith.constant 0 : i32
      %scan3A_49 = arith.constant 48 : i32
      %scan3A_50 = arith.addi %scan3A_48, %scan3A_49 : i32
      %scan3A_51 = arith.constant 1 : i32
      scf.for %scan3A_53 = %scan3A_48 to %scan3A_50 step %scan3A_51  : i32 {
        %mul3A_54 = arith.constant 16 : i32
        %mul3A_55 = arith.muli %scan3A_53, %mul3A_54 : i32
        %get3A_56 = arith.index_cast %scan3A_40 : i32 to index
        %get3A_57 = arith.index_cast %mul3A_55 : i32 to index
        %get3A_58 = tpu.vector_load %arg9[%get3A_56, %get3A_57] {strides = array<i32>} : memref<32x768xf32, #tpu.memory_space<vmem>>, vector<1x16xf32>,
        %get3A_59 = vector.shape_cast %get3A_58 : vector<1x16xf32> to vector<16xf32>
        %get3A_60 = arith.index_cast %scan3A_40 : i32 to index
        %get3A_61 = arith.index_cast %mul3A_55 : i32 to index
        %get3A_62 = tpu.vector_load %arg10[%get3A_60, %get3A_61] {strides = array<i32>} : memref<32x768xf32, #tpu.memory_space<vmem>>, vector<1x16xf32>,
        %get3A_63 = vector.shape_cast %get3A_62 : vector<1x16xf32> to vector<16xf32>
        %mul3A_64 = arith.mulf %get3A_43, %get3A_63 : vector<16xf32>
        %add3A_65 = arith.addf %get3A_59, %mul3A_64 : vector<16xf32>
        %get3A_66 = arith.index_cast %scan3A_40 : i32 to index
        %get3A_67 = arith.index_cast %mul3A_55 : i32 to index
        %get3A_68 = tpu.vector_load %arg11[%get3A_66, %get3A_67] {strides = array<i32>} : memref<32x768xf32, #tpu.memory_space<vmem>>, vector<1x16xf32>,
        %get3A_69 = vector.shape_cast %get3A_68 : vector<1x16xf32> to vector<16xf32>
        %mul3A_70 = arith.mulf %get3A_47, %get3A_69 : vector<16xf32>
        %add3A_71 = arith.addf %add3A_65, %mul3A_70 : vector<16xf32>
        %swap3A = arith.index_cast %scan3A_40 : i32 to index
        %swap3A_72 = arith.index_cast %mul3A_55 : i32 to index
        %swap3A_73 = tpu.vector_load %arg9[%swap3A, %swap3A_72] {strides = array<i32>} : memref<32x768xf32, #tpu.memory_space<vmem>>, vector<1x16xf32>,
        %swap3A_74 = vector.shape_cast %swap3A_73 : vector<1x16xf32> to vector<16xf32>
        %swap3A_75 = vector.shape_cast %add3A_71 : vector<16xf32> to vector<1x16xf32>
        tpu.vector_store %arg9[%swap3A, %swap3A_72], %swap3A_75 {strides = array<i32>} : memref<32x768xf32, #tpu.memory_space<vmem>>, vector<1x16xf32>,
      }
      %scan3A_52 = arith.constant 48 : i32
    }
    %scan3A_39 = arith.constant 32 : i32
    "tpu.region"() ({
      %run_scoped3A = tpu.sem_alloc : memref<!tpu.dma_semaphore, #tpu.memory_space<semaphore_mem>>
      %dma_start3A_40 = arith.constant 0 : i32
      %dma_start3A_41 = tpu.memref_slice %arg8[%add3A_21, %dma_start3A_40] : memref<2048x768xf32, #tpu.memory_space<hbm>> -> memref<32x768xf32, #tpu.memory_space<hbm>>
      %dma_start3A_42 = arith.constant 0 : i32
      %dma_start3A_43 = tpu.memref_slice %arg8[%add3A_21, %dma_start3A_42] : memref<2048x768xf32, #tpu.memory_space<hbm>> -> memref<32x768xf32, #tpu.memory_space<hbm>>
      tpu.enqueue_dma source(%arg9 : memref<32x768xf32, #tpu.memory_space<vmem>>) target(%dma_start3A_43 : memref<32x768xf32, #tpu.memory_space<hbm>>) target_semaphore(%run_scoped3A : memref<!tpu.dma_semaphore, #tpu.memory_space<semaphore_mem>>)
      %dma_wait3A_44 = arith.constant 0 : i32
      %dma_wait3A_45 = tpu.memref_slice %arg8[%add3A_21, %dma_wait3A_44] : memref<2048x768xf32, #tpu.memory_space<hbm>> -> memref<32x768xf32, #tpu.memory_space<hbm>>
      %dma_wait3A_46 = arith.constant 0 : i32
      %dma_wait3A_47 = tpu.memref_slice %arg8[%add3A_21, %dma_wait3A_46] : memref<2048x768xf32, #tpu.memory_space<hbm>> -> memref<32x768xf32, #tpu.memory_space<hbm>>
      tpu.wait_dma2 semaphore(%run_scoped3A : memref<!tpu.dma_semaphore, #tpu.memory_space<semaphore_mem>>) src(%arg9 : memref<32x768xf32, #tpu.memory_space<vmem>>) dst(%dma_wait3A_47 : memref<32x768xf32, #tpu.memory_space<hbm>>)
      tpu.yield
    }) : () -> ()
    return
  }
}

#map = affine_map<(d0, d1) -> (0, 0)>
#map1 = affine_map<(d0, d1) -> (0)>
module attributes {stable_mosaic.version = 14 : i64} {
  func.func @_disp_body(%arg0: i32, %arg1: i32, %arg2: memref<2048x768xf32, #tpu.memory_space<hbm>>, %arg3: memref<2048xi32, #tpu.memory_space<hbm>>, %arg4: memref<2048xi32, #tpu.memory_space<hbm>>, %arg5: memref<6144x768xf32, #tpu.memory_space<hbm>>, %arg6: memref<64xi32, #tpu.memory_space<vmem>>, %arg7: memref<64xi32, #tpu.memory_space<vmem>>, %arg8: memref<64x768xf32, #tpu.memory_space<vmem>>, %arg9: memref<!tpu.dma_semaphore, #tpu.memory_space<semaphore_mem>>, %arg10: memref<!tpu.dma_semaphore, #tpu.memory_space<semaphore_mem>>) attributes {dimension_semantics = [#tpu.dimension_semantics<core_parallel>, #tpu.dimension_semantics<subcore_parallel>], iteration_bounds = array<i64: 2, 16>, scalar_prefetch = 0 : i64, scratch_operands = 5 : i64, tpu.core_type = #tpu.core_type<sc_vector_subcore>, window_params = [{transform_indices = #map}, {transform_indices = #map1}, {transform_indices = #map1}, {transform_indices = #map}]} {
    %mul3A = arith.constant 2 : i32
    %mul3A_0 = arith.muli %arg1, %mul3A : i32
    %add3A = arith.addi %mul3A_0, %arg0 : i32
    %mul3A_1 = arith.constant 64 : i32
    %mul3A_2 = arith.muli %add3A, %mul3A_1 : i32
    "tpu.region"() ({
      %run_scoped3A = tpu.sem_alloc : memref<!tpu.dma_semaphore, #tpu.memory_space<semaphore_mem>>
      %dma_start3A_13 = tpu.memref_slice %arg3[%mul3A_2] : memref<2048xi32, #tpu.memory_space<hbm>> -> memref<64xi32, #tpu.memory_space<hbm>>
      %dma_start3A_14 = tpu.memref_slice %arg3[%mul3A_2] : memref<2048xi32, #tpu.memory_space<hbm>> -> memref<64xi32, #tpu.memory_space<hbm>>
      tpu.enqueue_dma source(%dma_start3A_14 : memref<64xi32, #tpu.memory_space<hbm>>) target(%arg6 : memref<64xi32, #tpu.memory_space<vmem>>) target_semaphore(%run_scoped3A : memref<!tpu.dma_semaphore, #tpu.memory_space<semaphore_mem>>)
      %dma_wait3A_15 = tpu.memref_slice %arg3[%mul3A_2] : memref<2048xi32, #tpu.memory_space<hbm>> -> memref<64xi32, #tpu.memory_space<hbm>>
      %dma_wait3A_16 = tpu.memref_slice %arg3[%mul3A_2] : memref<2048xi32, #tpu.memory_space<hbm>> -> memref<64xi32, #tpu.memory_space<hbm>>
      tpu.wait_dma2 semaphore(%run_scoped3A : memref<!tpu.dma_semaphore, #tpu.memory_space<semaphore_mem>>) src(%dma_wait3A_16 : memref<64xi32, #tpu.memory_space<hbm>>) dst(%arg6 : memref<64xi32, #tpu.memory_space<vmem>>)
      tpu.yield
    }) : () -> ()
    "tpu.region"() ({
      %run_scoped3A = tpu.sem_alloc : memref<!tpu.dma_semaphore, #tpu.memory_space<semaphore_mem>>
      %dma_start3A_13 = tpu.memref_slice %arg4[%mul3A_2] : memref<2048xi32, #tpu.memory_space<hbm>> -> memref<64xi32, #tpu.memory_space<hbm>>
      %dma_start3A_14 = tpu.memref_slice %arg4[%mul3A_2] : memref<2048xi32, #tpu.memory_space<hbm>> -> memref<64xi32, #tpu.memory_space<hbm>>
      tpu.enqueue_dma source(%dma_start3A_14 : memref<64xi32, #tpu.memory_space<hbm>>) target(%arg7 : memref<64xi32, #tpu.memory_space<vmem>>) target_semaphore(%run_scoped3A : memref<!tpu.dma_semaphore, #tpu.memory_space<semaphore_mem>>)
      %dma_wait3A_15 = tpu.memref_slice %arg4[%mul3A_2] : memref<2048xi32, #tpu.memory_space<hbm>> -> memref<64xi32, #tpu.memory_space<hbm>>
      %dma_wait3A_16 = tpu.memref_slice %arg4[%mul3A_2] : memref<2048xi32, #tpu.memory_space<hbm>> -> memref<64xi32, #tpu.memory_space<hbm>>
      tpu.wait_dma2 semaphore(%run_scoped3A : memref<!tpu.dma_semaphore, #tpu.memory_space<semaphore_mem>>) src(%dma_wait3A_16 : memref<64xi32, #tpu.memory_space<hbm>>) dst(%arg7 : memref<64xi32, #tpu.memory_space<vmem>>)
      tpu.yield
    }) : () -> ()
    "tpu.region"() ({
      %run_scoped3A = tpu.sem_alloc : memref<!tpu.dma_semaphore, #tpu.memory_space<semaphore_mem>>
      %dma_start3A_13 = arith.constant 0 : i32
      %dma_start3A_14 = tpu.memref_slice %arg2[%mul3A_2, %dma_start3A_13] : memref<2048x768xf32, #tpu.memory_space<hbm>> -> memref<64x768xf32, #tpu.memory_space<hbm>>
      %dma_start3A_15 = arith.constant 0 : i32
      %dma_start3A_16 = tpu.memref_slice %arg2[%mul3A_2, %dma_start3A_15] : memref<2048x768xf32, #tpu.memory_space<hbm>> -> memref<64x768xf32, #tpu.memory_space<hbm>>
      tpu.enqueue_dma source(%dma_start3A_16 : memref<64x768xf32, #tpu.memory_space<hbm>>) target(%arg8 : memref<64x768xf32, #tpu.memory_space<vmem>>) target_semaphore(%run_scoped3A : memref<!tpu.dma_semaphore, #tpu.memory_space<semaphore_mem>>)
      %dma_wait3A_17 = arith.constant 0 : i32
      %dma_wait3A_18 = tpu.memref_slice %arg2[%mul3A_2, %dma_wait3A_17] : memref<2048x768xf32, #tpu.memory_space<hbm>> -> memref<64x768xf32, #tpu.memory_space<hbm>>
      %dma_wait3A_19 = arith.constant 0 : i32
      %dma_wait3A_20 = tpu.memref_slice %arg2[%mul3A_2, %dma_wait3A_19] : memref<2048x768xf32, #tpu.memory_space<hbm>> -> memref<64x768xf32, #tpu.memory_space<hbm>>
      tpu.wait_dma2 semaphore(%run_scoped3A : memref<!tpu.dma_semaphore, #tpu.memory_space<semaphore_mem>>) src(%dma_wait3A_20 : memref<64x768xf32, #tpu.memory_space<hbm>>) dst(%arg8 : memref<64x768xf32, #tpu.memory_space<vmem>>)
      tpu.yield
    }) : () -> ()
    %dma_start3A = arith.constant 0 : i32
    %dma_start3A_3 = arith.constant 0 : i32
    %dma_start3A_4 = tpu.memref_slice %arg5[%dma_start3A, %dma_start3A_3] : memref<6144x768xf32, #tpu.memory_space<hbm>> -> memref<6144x768xf32, #tpu.memory_space<hbm>>
    tpu.enqueue_indirect_dma source(%arg8 : memref<64x768xf32, #tpu.memory_space<vmem>>) target(%dma_start3A_4 : memref<6144x768xf32, #tpu.memory_space<hbm>>) offsets(%arg6 : memref<64xi32, #tpu.memory_space<vmem>>) semaphore(%arg9 : memref<!tpu.dma_semaphore, #tpu.memory_space<semaphore_mem>>)
    %dma_start3A_5 = arith.constant 0 : i32
    %dma_start3A_6 = arith.constant 0 : i32
    %dma_start3A_7 = tpu.memref_slice %arg5[%dma_start3A_5, %dma_start3A_6] : memref<6144x768xf32, #tpu.memory_space<hbm>> -> memref<6144x768xf32, #tpu.memory_space<hbm>>
    tpu.enqueue_indirect_dma source(%arg8 : memref<64x768xf32, #tpu.memory_space<vmem>>) target(%dma_start3A_7 : memref<6144x768xf32, #tpu.memory_space<hbm>>) offsets(%arg7 : memref<64xi32, #tpu.memory_space<vmem>>) semaphore(%arg10 : memref<!tpu.dma_semaphore, #tpu.memory_space<semaphore_mem>>)
    %dma_wait3A = arith.constant 0 : i32
    %dma_wait3A_8 = arith.constant 0 : i32
    %dma_wait3A_9 = tpu.memref_slice %arg5[%dma_wait3A, %dma_wait3A_8] : memref<6144x768xf32, #tpu.memory_space<hbm>> -> memref<6144x768xf32, #tpu.memory_space<hbm>>
    tpu.wait_indirect_dma semaphore(%arg9 : memref<!tpu.dma_semaphore, #tpu.memory_space<semaphore_mem>>) src(%arg8 : memref<64x768xf32, #tpu.memory_space<vmem>>) dst(%dma_wait3A_9 : memref<6144x768xf32, #tpu.memory_space<hbm>>)
    %dma_wait3A_10 = arith.constant 0 : i32
    %dma_wait3A_11 = arith.constant 0 : i32
    %dma_wait3A_12 = tpu.memref_slice %arg5[%dma_wait3A_10, %dma_wait3A_11] : memref<6144x768xf32, #tpu.memory_space<hbm>> -> memref<6144x768xf32, #tpu.memory_space<hbm>>
    tpu.wait_indirect_dma semaphore(%arg10 : memref<!tpu.dma_semaphore, #tpu.memory_space<semaphore_mem>>) src(%arg8 : memref<64x768xf32, #tpu.memory_space<vmem>>) dst(%dma_wait3A_12 : memref<6144x768xf32, #tpu.memory_space<hbm>>)
    return
  }
}

module attributes {stable_mosaic.version = 14 : i64} {
  func.func @_gate_body(%arg0: i32, %arg1: memref<256x768xf32, #tpu.memory_space<vmem>>, %arg2: memref<1x768xf32, #tpu.memory_space<vmem>>, %arg3: memref<1x768xf32, #tpu.memory_space<vmem>>, %arg4: memref<256x1xi32, #tpu.memory_space<vmem>>, %arg5: memref<256x1xi32, #tpu.memory_space<vmem>>, %arg6: memref<256x1xf32, #tpu.memory_space<vmem>>, %arg7: memref<256x1xf32, #tpu.memory_space<vmem>>, %arg8: memref<256x768xf32, #tpu.memory_space<vmem>>, %arg9: memref<2048x1xi32, #tpu.memory_space<vmem>>, %arg10: memref<2048x1xi32, #tpu.memory_space<vmem>>, %arg11: memref<24x1xi32, #tpu.memory_space<vmem>>, %arg12: memref<1x1xf32, #tpu.memory_space<smem>>, %arg13: memref<2048x1xi32, #tpu.memory_space<vmem>>, %arg14: memref<2048x1xi32, #tpu.memory_space<vmem>>, %arg15: memref<2048x1xf32, #tpu.memory_space<vmem>>, %arg16: memref<2048x1xf32, #tpu.memory_space<vmem>>, %arg17: memref<1x8xf32, #tpu.memory_space<vmem>>, %arg18: memref<1x8xf32, #tpu.memory_space<vmem>>) attributes {dimension_semantics = [#tpu.dimension_semantics<arbitrary>], iteration_bounds = array<i64: 8>, scalar_prefetch = 0 : i64, scratch_operands = 6 : i64, tpu.core_type = #tpu.core_type<tc>, window_params = [{transform_indices = @transform_0, window_bounds = array<i64: 256, 768>}, {pipeline_mode = #tpu.pipeline_mode<synchronous>, transform_indices = @transform_1, window_bounds = array<i64: 1, 768>}, {pipeline_mode = #tpu.pipeline_mode<synchronous>, transform_indices = @transform_2, window_bounds = array<i64: 1, 768>}, {transform_indices = @transform_3, window_bounds = array<i64: 256, 1>}, {transform_indices = @transform_4, window_bounds = array<i64: 256, 1>}, {transform_indices = @transform_5, window_bounds = array<i64: 256, 1>}, {transform_indices = @transform_6, window_bounds = array<i64: 256, 1>}, {transform_indices = @transform_7, window_bounds = array<i64: 256, 768>}, {pipeline_mode = #tpu.pipeline_mode<synchronous>, transform_indices = @transform_8, window_bounds = array<i64: 2048, 1>}, {pipeline_mode = #tpu.pipeline_mode<synchronous>, transform_indices = @transform_9, window_bounds = array<i64: 2048, 1>}, {pipeline_mode = #tpu.pipeline_mode<synchronous>, transform_indices = @transform_10, window_bounds = array<i64: 24, 1>}, {transform_indices = @transform_11, window_bounds = array<i64: 1, 1>}]} {
    %mul3A = arith.constant 256 : i32
    %mul3A_0 = arith.muli %arg0, %mul3A : i32
    %iota3A = tpu.iota {dimensions = array<i32: 1>} : vector<256x8xi32>
    %get3A = arith.constant 0 : index
    %get3A_1 = arith.constant 0 : index
    %get3A_2 = vector.load %arg1[%get3A, %get3A_1] : memref<256x768xf32, #tpu.memory_space<vmem>>, vector<256x768xf32>
    %reduce_sum3A = arith.constant dense<0.000000e+00> : vector<256xf32>
    %reduce_sum3A_3 = vector.multi_reduction <add>, %get3A_2, %reduce_sum3A [1] : vector<256x768xf32> to vector<256xf32>
    %broadcast_in_dim3A = vector.shape_cast %reduce_sum3A_3 : vector<256xf32> to vector<256x1xf32>
    %div3A = arith.constant 7.680000e+02 : f32
    %div3A_4 = vector.broadcast %div3A : f32 to vector<256x1xf32>
    %div3A_5 = arith.divf %broadcast_in_dim3A, %div3A_4 : vector<256x1xf32>
    %sub3A = vector.broadcast %div3A_5 : vector<256x1xf32> to vector<256x768xf32>
    %sub3A_6 = arith.subf %get3A_2, %sub3A : vector<256x768xf32>
    %integer_pow3A = arith.mulf %sub3A_6, %sub3A_6 : vector<256x768xf32>
    %reduce_sum3A_7 = arith.constant dense<0.000000e+00> : vector<256xf32>
    %reduce_sum3A_8 = vector.multi_reduction <add>, %integer_pow3A, %reduce_sum3A_7 [1] : vector<256x768xf32> to vector<256xf32>
    %broadcast_in_dim3A_9 = vector.shape_cast %reduce_sum3A_8 : vector<256xf32> to vector<256x1xf32>
    %div3A_10 = arith.constant 7.680000e+02 : f32
    %div3A_11 = vector.broadcast %div3A_10 : f32 to vector<256x1xf32>
    %div3A_12 = arith.divf %broadcast_in_dim3A_9, %div3A_11 : vector<256x1xf32>
    %sub3A_13 = vector.broadcast %div3A_5 : vector<256x1xf32> to vector<256x768xf32>
    %sub3A_14 = arith.subf %get3A_2, %sub3A_13 : vector<256x768xf32>
    %add3A = arith.constant 9.99999974E-6 : f32
    %add3A_15 = vector.broadcast %add3A : f32 to vector<256x1xf32>
    %add3A_16 = arith.addf %div3A_12, %add3A_15 : vector<256x1xf32>
    %sqrt3A = math.sqrt %add3A_16 : vector<256x1xf32>
    %div3A_17 = vector.broadcast %sqrt3A : vector<256x1xf32> to vector<256x768xf32>
    %div3A_18 = arith.divf %sub3A_14, %div3A_17 : vector<256x768xf32>
    %get3A_19 = arith.constant 0 : index
    %get3A_20 = arith.constant 0 : index
    %get3A_21 = vector.load %arg2[%get3A_19, %get3A_20] : memref<1x768xf32, #tpu.memory_space<vmem>>, vector<1x768xf32>
    %mul3A_22 = vector.broadcast %get3A_21 : vector<1x768xf32> to vector<256x768xf32>
    %mul3A_23 = arith.mulf %div3A_18, %mul3A_22 : vector<256x768xf32>
    %get3A_24 = arith.constant 0 : index
    %get3A_25 = arith.constant 0 : index
    %get3A_26 = vector.load %arg3[%get3A_24, %get3A_25] : memref<1x768xf32, #tpu.memory_space<vmem>>, vector<1x768xf32>
    %add3A_27 = vector.broadcast %get3A_26 : vector<1x768xf32> to vector<256x768xf32>
    %add3A_28 = arith.addf %mul3A_23, %add3A_27 : vector<256x768xf32>
    %swap3A = arith.constant 0 : index
    %swap3A_29 = arith.constant 0 : index
    %swap3A_30 = vector.load %arg8[%swap3A, %swap3A_29] : memref<256x768xf32, #tpu.memory_space<vmem>>, vector<256x768xf32>
    tpu.vector_store %arg8[%swap3A, %swap3A_29], %add3A_28 {strides = array<i32>} : memref<256x768xf32, #tpu.memory_space<vmem>>, vector<256x768xf32>,
    %get3A_31 = arith.constant 0 : index
    %get3A_32 = arith.constant 0 : index
    %get3A_33 = vector.load %arg4[%get3A_31, %get3A_32] : memref<256x1xi32, #tpu.memory_space<vmem>>, vector<256x1xi32>
    %get3A_34 = arith.constant 0 : index
    %get3A_35 = arith.constant 0 : index
    %get3A_36 = vector.load %arg5[%get3A_34, %get3A_35] : memref<256x1xi32, #tpu.memory_space<vmem>>, vector<256x1xi32>
    %get3A_37 = arith.constant 0 : index
    %get3A_38 = arith.constant 0 : index
    %get3A_39 = vector.load %arg6[%get3A_37, %get3A_38] : memref<256x1xf32, #tpu.memory_space<vmem>>, vector<256x1xf32>
    %get3A_40 = arith.constant 0 : index
    %get3A_41 = arith.constant 0 : index
    %get3A_42 = vector.load %arg7[%get3A_40, %get3A_41] : memref<256x1xf32, #tpu.memory_space<vmem>>, vector<256x1xf32>
    %swap3A_43 = arith.index_cast %mul3A_0 : i32 to index
    %swap3A_44 = arith.constant 0 : index
    %swap3A_45 = vector.load %arg13[%swap3A_43, %swap3A_44] : memref<2048x1xi32, #tpu.memory_space<vmem>>, vector<256x1xi32>
    tpu.vector_store %arg13[%swap3A_43, %swap3A_44], %get3A_33 {strides = array<i32>} : memref<2048x1xi32, #tpu.memory_space<vmem>>, vector<256x1xi32>,
    %swap3A_46 = arith.index_cast %mul3A_0 : i32 to index
    %swap3A_47 = arith.constant 0 : index
    %swap3A_48 = vector.load %arg14[%swap3A_46, %swap3A_47] : memref<2048x1xi32, #tpu.memory_space<vmem>>, vector<256x1xi32>
    tpu.vector_store %arg14[%swap3A_46, %swap3A_47], %get3A_36 {strides = array<i32>} : memref<2048x1xi32, #tpu.memory_space<vmem>>, vector<256x1xi32>,
    %eq3A = arith.constant 0 : i32
    %eq3A_49 = arith.cmpi eq, %arg0, %eq3A : i32
    %convert_element_type3A = arith.extui %eq3A_49 : i1 to i32
    %cond3A = arith.constant 0 : i32
    %cond3A_50 = arith.cmpi ne, %convert_element_type3A, %cond3A : i32
    scf.if %cond3A_50 {
      %broadcast_in_dim3A_133 = arith.constant 0.000000e+00 : f32
      %broadcast_in_dim3A_134 = vector.broadcast %broadcast_in_dim3A_133 : f32 to vector<1x8xf32>
      %swap3A_135 = arith.constant 0 : index
      %swap3A_136 = arith.constant 0 : index
      %swap3A_137 = vector.load %arg17[%swap3A_135, %swap3A_136] : memref<1x8xf32, #tpu.memory_space<vmem>>, vector<1x8xf32>
      tpu.vector_store %arg17[%swap3A_135, %swap3A_136], %broadcast_in_dim3A_134 {strides = array<i32>} : memref<1x8xf32, #tpu.memory_space<vmem>>, vector<1x8xf32>,
      %broadcast_in_dim3A_138 = arith.constant 0.000000e+00 : f32
      %broadcast_in_dim3A_139 = vector.broadcast %broadcast_in_dim3A_138 : f32 to vector<1x8xf32>
      %swap3A_140 = arith.constant 0 : index
      %swap3A_141 = arith.constant 0 : index
      %swap3A_142 = vector.load %arg18[%swap3A_140, %swap3A_141] : memref<1x8xf32, #tpu.memory_space<vmem>>, vector<1x8xf32>
      tpu.vector_store %arg18[%swap3A_140, %swap3A_141], %broadcast_in_dim3A_139 {strides = array<i32>} : memref<1x8xf32, #tpu.memory_space<vmem>>, vector<1x8xf32>,
    } else {
    }
    %eq3A_51 = vector.broadcast %get3A_33 : vector<256x1xi32> to vector<256x8xi32>
    %eq3A_52 = arith.cmpi eq, %iota3A, %eq3A_51 : vector<256x8xi32>
    %convert_element_type3A_53 = arith.extui %eq3A_52 : vector<256x8xi1> to vector<256x8xi32>
    %convert_element_type3A_54 = arith.sitofp %convert_element_type3A_53 : vector<256x8xi32> to vector<256x8xf32>
    %eq3A_55 = vector.broadcast %get3A_36 : vector<256x1xi32> to vector<256x8xi32>
    %eq3A_56 = arith.cmpi eq, %iota3A, %eq3A_55 : vector<256x8xi32>
    %convert_element_type3A_57 = arith.extui %eq3A_56 : vector<256x8xi1> to vector<256x8xi32>
    %convert_element_type3A_58 = arith.sitofp %convert_element_type3A_57 : vector<256x8xi32> to vector<256x8xf32>
    %get3A_59 = arith.constant 0 : index
    %get3A_60 = arith.constant 0 : index
    %get3A_61 = vector.load %arg18[%get3A_59, %get3A_60] : memref<1x8xf32, #tpu.memory_space<vmem>>, vector<1x8xf32>
    %mul3A_62 = vector.broadcast %get3A_39 : vector<256x1xf32> to vector<256x8xf32>
    %mul3A_63 = arith.mulf %mul3A_62, %convert_element_type3A_54 : vector<256x8xf32>
    %mul3A_64 = vector.broadcast %get3A_42 : vector<256x1xf32> to vector<256x8xf32>
    %mul3A_65 = arith.mulf %mul3A_64, %convert_element_type3A_58 : vector<256x8xf32>
    %add3A_66 = arith.addf %mul3A_63, %mul3A_65 : vector<256x8xf32>
    %reduce_sum3A_67 = arith.constant dense<0.000000e+00> : vector<8xf32>
    %reduce_sum3A_68 = vector.multi_reduction <add>, %add3A_66, %reduce_sum3A_67 [0] : vector<256x8xf32> to vector<8xf32>
    %broadcast_in_dim3A_69 = vector.shape_cast %reduce_sum3A_68 : vector<8xf32> to vector<1x8xf32>
    %add3A_70 = arith.addf %get3A_61, %broadcast_in_dim3A_69 : vector<1x8xf32>
    %swap3A_71 = arith.constant 0 : index
    %swap3A_72 = arith.constant 0 : index
    %swap3A_73 = vector.load %arg18[%swap3A_71, %swap3A_72] : memref<1x8xf32, #tpu.memory_space<vmem>>, vector<1x8xf32>
    tpu.vector_store %arg18[%swap3A_71, %swap3A_72], %add3A_70 {strides = array<i32>} : memref<1x8xf32, #tpu.memory_space<vmem>>, vector<1x8xf32>,
    %iota3A_74 = tpu.iota {dimensions = array<i32: 0>} : vector<256x256xi32>
    %iota3A_75 = tpu.iota {dimensions = array<i32: 1>} : vector<256x256xi32>
    %ge3A = arith.cmpi sge, %iota3A_74, %iota3A_75 : vector<256x256xi32>
    %convert_element_type3A_76 = arith.extui %ge3A : vector<256x256xi1> to vector<256x256xi32>
    %convert_element_type3A_77 = arith.sitofp %convert_element_type3A_76 : vector<256x256xi32> to vector<256x256xf32>
    %dot_general3A = arith.constant dense<0.000000e+00> : vector<256x8xf32>
    %dot_general3A_78 = tpu.matmul %convert_element_type3A_77, %convert_element_type3A_54, %dot_general3A {dimension_numbers = #tpu.dot_dimension_numbers<[1], [0], [0], [1], [0, 0, 1, 1], [], []>, transpose_lhs_hint = false} : vector<256x256xf32>, vector<256x8xf32>, vector<256x8xf32> -> vector<256x8xf32>
    %add3A_79 = arith.constant 5.000000e-01 : f32
    %add3A_80 = vector.broadcast %add3A_79 : f32 to vector<256x8xf32>
    %add3A_81 = arith.addf %dot_general3A_78, %add3A_80 : vector<256x8xf32>
    %floor3A = math.floor %add3A_81 : vector<256x8xf32>
    %dot_general3A_82 = arith.constant dense<0.000000e+00> : vector<256x8xf32>
    %dot_general3A_83 = tpu.matmul %convert_element_type3A_77, %convert_element_type3A_58, %dot_general3A_82 {dimension_numbers = #tpu.dot_dimension_numbers<[1], [0], [0], [1], [0, 0, 1, 1], [], []>, transpose_lhs_hint = false} : vector<256x256xf32>, vector<256x8xf32>, vector<256x8xf32> -> vector<256x8xf32>
    %add3A_84 = arith.constant 5.000000e-01 : f32
    %add3A_85 = vector.broadcast %add3A_84 : f32 to vector<256x8xf32>
    %add3A_86 = arith.addf %dot_general3A_83, %add3A_85 : vector<256x8xf32>
    %floor3A_87 = math.floor %add3A_86 : vector<256x8xf32>
    %get3A_88 = arith.constant 0 : index
    %get3A_89 = arith.constant 0 : index
    %get3A_90 = vector.load %arg17[%get3A_88, %get3A_89] : memref<1x8xf32, #tpu.memory_space<vmem>>, vector<1x8xf32>
    %reduce_sum3A_91 = arith.constant dense<0.000000e+00> : vector<8xf32>
    %reduce_sum3A_92 = vector.multi_reduction <add>, %convert_element_type3A_54, %reduce_sum3A_91 [0] : vector<256x8xf32> to vector<8xf32>
    %broadcast_in_dim3A_93 = vector.shape_cast %reduce_sum3A_92 : vector<8xf32> to vector<1x8xf32>
    %reduce_sum3A_94 = arith.constant dense<0.000000e+00> : vector<8xf32>
    %reduce_sum3A_95 = vector.multi_reduction <add>, %convert_element_type3A_58, %reduce_sum3A_94 [0] : vector<256x8xf32> to vector<8xf32>
    %broadcast_in_dim3A_96 = vector.shape_cast %reduce_sum3A_95 : vector<8xf32> to vector<1x8xf32>
    %add3A_97 = vector.broadcast %get3A_90 : vector<1x8xf32> to vector<256x8xf32>
    %add3A_98 = arith.addf %floor3A, %add3A_97 : vector<256x8xf32>
    %mul3A_99 = arith.mulf %convert_element_type3A_54, %add3A_98 : vector<256x8xf32>
    %reduce_sum3A_100 = arith.constant dense<0.000000e+00> : vector<256xf32>
    %reduce_sum3A_101 = vector.multi_reduction <add>, %mul3A_99, %reduce_sum3A_100 [1] : vector<256x8xf32> to vector<256xf32>
    %broadcast_in_dim3A_102 = vector.shape_cast %reduce_sum3A_101 : vector<256xf32> to vector<256x1xf32>
    %sub3A_103 = arith.constant 1.000000e+00 : f32
    %sub3A_104 = vector.broadcast %sub3A_103 : f32 to vector<256x1xf32>
    %sub3A_105 = arith.subf %broadcast_in_dim3A_102, %sub3A_104 : vector<256x1xf32>
    %add3A_106 = vector.broadcast %get3A_90 : vector<1x8xf32> to vector<256x8xf32>
    %add3A_107 = arith.addf %floor3A_87, %add3A_106 : vector<256x8xf32>
    %add3A_108 = vector.broadcast %broadcast_in_dim3A_93 : vector<1x8xf32> to vector<256x8xf32>
    %add3A_109 = arith.addf %add3A_107, %add3A_108 : vector<256x8xf32>
    %mul3A_110 = arith.mulf %convert_element_type3A_58, %add3A_109 : vector<256x8xf32>
    %reduce_sum3A_111 = arith.constant dense<0.000000e+00> : vector<256xf32>
    %reduce_sum3A_112 = vector.multi_reduction <add>, %mul3A_110, %reduce_sum3A_111 [1] : vector<256x8xf32> to vector<256xf32>
    %broadcast_in_dim3A_113 = vector.shape_cast %reduce_sum3A_112 : vector<256xf32> to vector<256x1xf32>
    %sub3A_114 = arith.constant 1.000000e+00 : f32
    %sub3A_115 = vector.broadcast %sub3A_114 : f32 to vector<256x1xf32>
    %sub3A_116 = arith.subf %broadcast_in_dim3A_113, %sub3A_115 : vector<256x1xf32>
    %swap3A_117 = arith.index_cast %mul3A_0 : i32 to index
    %swap3A_118 = arith.constant 0 : index
    %swap3A_119 = vector.load %arg15[%swap3A_117, %swap3A_118] : memref<2048x1xf32, #tpu.memory_space<vmem>>, vector<256x1xf32>
    tpu.vector_store %arg15[%swap3A_117, %swap3A_118], %sub3A_105 {strides = array<i32>} : memref<2048x1xf32, #tpu.memory_space<vmem>>, vector<256x1xf32>,
    %swap3A_120 = arith.index_cast %mul3A_0 : i32 to index
    %swap3A_121 = arith.constant 0 : index
    %swap3A_122 = vector.load %arg16[%swap3A_120, %swap3A_121] : memref<2048x1xf32, #tpu.memory_space<vmem>>, vector<256x1xf32>
    tpu.vector_store %arg16[%swap3A_120, %swap3A_121], %sub3A_116 {strides = array<i32>} : memref<2048x1xf32, #tpu.memory_space<vmem>>, vector<256x1xf32>,
    %add3A_123 = arith.addf %get3A_90, %broadcast_in_dim3A_93 : vector<1x8xf32>
    %add3A_124 = arith.addf %add3A_123, %broadcast_in_dim3A_96 : vector<1x8xf32>
    %swap3A_125 = arith.constant 0 : index
    %swap3A_126 = arith.constant 0 : index
    %swap3A_127 = vector.load %arg17[%swap3A_125, %swap3A_126] : memref<1x8xf32, #tpu.memory_space<vmem>>, vector<1x8xf32>
    tpu.vector_store %arg17[%swap3A_125, %swap3A_126], %add3A_124 {strides = array<i32>} : memref<1x8xf32, #tpu.memory_space<vmem>>, vector<1x8xf32>,
    %eq3A_128 = arith.constant 7 : i32
    %eq3A_129 = arith.cmpi eq, %arg0, %eq3A_128 : i32
    %convert_element_type3A_130 = arith.extui %eq3A_129 : i1 to i32
    %cond3A_131 = arith.constant 0 : i32
    %cond3A_132 = arith.cmpi ne, %convert_element_type3A_130, %cond3A_131 : i32
    scf.if %cond3A_132 {
      %get3A_133 = arith.constant 0 : index
      %get3A_134 = arith.constant 0 : index
      %get3A_135 = vector.load %arg18[%get3A_133, %get3A_134] : memref<1x8xf32, #tpu.memory_space<vmem>>, vector<1x8xf32>
      %div3A_136 = arith.constant 2.048000e+03 : f32
      %div3A_137 = vector.broadcast %div3A_136 : f32 to vector<1x8xf32>
      %div3A_138 = arith.divf %get3A_135, %div3A_137 : vector<1x8xf32>
      %sub3A_139 = arith.constant 1.250000e-01 : f32
      %sub3A_140 = vector.broadcast %sub3A_139 : f32 to vector<1x8xf32>
      %sub3A_141 = arith.subf %div3A_138, %sub3A_140 : vector<1x8xf32>
      %integer_pow3A_142 = arith.mulf %sub3A_141, %sub3A_141 : vector<1x8xf32>
      %reduce_sum3A_143 = vector.shape_cast %integer_pow3A_142 : vector<1x8xf32> to vector<1x1x8xf32>
      %reduce_sum3A_144 = arith.constant dense<0.000000e+00> : vector<1xf32>
      %reduce_sum3A_145 = vector.multi_reduction <add>, %reduce_sum3A_143, %reduce_sum3A_144 [1, 2] : vector<1x1x8xf32> to vector<1xf32>
      %reduce_sum3A_146 = vector.shape_cast %reduce_sum3A_145 : vector<1xf32> to vector<1x1x1xf32>
      %reduce_sum3A_147 = vector.extract %reduce_sum3A_146[0, 0, 0] : f32 from vector<1x1x1xf32>
      %div3A_148 = arith.constant 8.000000e+00 : f32
      %div3A_149 = arith.divf %reduce_sum3A_147, %div3A_148 : f32
      %swap3A_150 = arith.constant 0 : index
      %swap3A_151 = arith.constant 0 : index
      %swap3A_152 = memref.load %arg12[%swap3A_150, %swap3A_151] : memref<1x1xf32, #tpu.memory_space<smem>>
      memref.store %div3A_149, %arg12[%swap3A_150, %swap3A_151] : memref<1x1xf32, #tpu.memory_space<smem>>
      %get3A_153 = arith.constant 0 : index
      %get3A_154 = arith.constant 0 : index
      %get3A_155 = vector.load %arg17[%get3A_153, %get3A_154] : memref<1x8xf32, #tpu.memory_space<vmem>>, vector<1x8xf32>
      %div3A_156 = arith.constant 2.560000e+02 : f32
      %div3A_157 = vector.broadcast %div3A_156 : f32 to vector<1x8xf32>
      %div3A_158 = arith.divf %get3A_155, %div3A_157 : vector<1x8xf32>
      %ceil3A = math.ceil %div3A_158 : vector<1x8xf32>
      %mul3A_159 = arith.constant 2.560000e+02 : f32
      %mul3A_160 = vector.broadcast %mul3A_159 : f32 to vector<1x8xf32>
      %mul3A_161 = arith.mulf %ceil3A, %mul3A_160 : vector<1x8xf32>
      %iota3A_162 = tpu.iota {dimensions = array<i32: 0>} : vector<8x8xi32>
      %iota3A_163 = tpu.iota {dimensions = array<i32: 1>} : vector<8x8xi32>
      %lt3A = arith.cmpi slt, %iota3A_162, %iota3A_163 : vector<8x8xi32>
      %convert_element_type3A_164 = arith.extui %lt3A : vector<8x8xi1> to vector<8x8xi32>
      %convert_element_type3A_165 = arith.sitofp %convert_element_type3A_164 : vector<8x8xi32> to vector<8x8xf32>
      %dot_general3A_166 = arith.constant dense<0.000000e+00> : vector<1x8xf32>
      %dot_general3A_167 = tpu.matmul %mul3A_161, %convert_element_type3A_165, %dot_general3A_166 {dimension_numbers = #tpu.dot_dimension_numbers<[1], [0], [0], [1], [0, 0, 1, 1], [], []>, transpose_lhs_hint = false} : vector<1x8xf32>, vector<8x8xf32>, vector<1x8xf32> -> vector<1x8xf32>
      %add3A_168 = arith.constant 5.000000e-01 : f32
      %add3A_169 = vector.broadcast %add3A_168 : f32 to vector<1x8xf32>
      %add3A_170 = arith.addf %dot_general3A_167, %add3A_169 : vector<1x8xf32>
      %floor3A_171 = math.floor %add3A_170 : vector<1x8xf32>
      %iota3A_172 = tpu.iota {dimensions = array<i32: 0>} : vector<24x8xi32>
      %convert_element_type3A_173 = arith.sitofp %iota3A_172 : vector<24x8xi32> to vector<24x8xf32>
      %mul3A_174 = arith.constant 2.560000e+02 : f32
      %mul3A_175 = vector.broadcast %mul3A_174 : f32 to vector<24x8xf32>
      %mul3A_176 = arith.mulf %convert_element_type3A_173, %mul3A_175 : vector<24x8xf32>
      %ge3A_177 = vector.broadcast %floor3A_171 : vector<1x8xf32> to vector<24x8xf32>
      %ge3A_178 = arith.cmpf oge, %mul3A_176, %ge3A_177 : vector<24x8xf32>
      %convert_element_type3A_179 = arith.extui %ge3A_178 : vector<24x8xi1> to vector<24x8xi32>
      %convert_element_type3A_180 = arith.sitofp %convert_element_type3A_179 : vector<24x8xi32> to vector<24x8xf32>
      %reduce_sum3A_181 = arith.constant dense<0.000000e+00> : vector<24xf32>
      %reduce_sum3A_182 = vector.multi_reduction <add>, %convert_element_type3A_180, %reduce_sum3A_181 [1] : vector<24x8xf32> to vector<24xf32>
      %broadcast_in_dim3A_183 = vector.shape_cast %reduce_sum3A_182 : vector<24xf32> to vector<24x1xf32>
      %sub3A_184 = arith.constant 1.000000e+00 : f32
      %sub3A_185 = vector.broadcast %sub3A_184 : f32 to vector<24x1xf32>
      %sub3A_186 = arith.subf %broadcast_in_dim3A_183, %sub3A_185 : vector<24x1xf32>
      %convert_element_type3A_187 = arith.fptosi %sub3A_186 : vector<24x1xf32> to vector<24x1xi32>
      %swap3A_188 = arith.constant 0 : index
      %swap3A_189 = arith.constant 0 : index
      %swap3A_190 = vector.load %arg11[%swap3A_188, %swap3A_189] : memref<24x1xi32, #tpu.memory_space<vmem>>, vector<24x1xi32>
      tpu.vector_store %arg11[%swap3A_188, %swap3A_189], %convert_element_type3A_187 {strides = array<i32>} : memref<24x1xi32, #tpu.memory_space<vmem>>, vector<24x1xi32>,
      %iota3A_191 = tpu.iota {dimensions = array<i32: 1>} : vector<2048x8xi32>
      %get3A_192 = arith.constant 0 : index
      %get3A_193 = arith.constant 0 : index
      %get3A_194 = vector.load %arg13[%get3A_192, %get3A_193] : memref<2048x1xi32, #tpu.memory_space<vmem>>, vector<2048x1xi32>
      %eq3A_195 = vector.broadcast %get3A_194 : vector<2048x1xi32> to vector<2048x8xi32>
      %eq3A_196 = arith.cmpi eq, %iota3A_191, %eq3A_195 : vector<2048x8xi32>
      %convert_element_type3A_197 = arith.extui %eq3A_196 : vector<2048x8xi1> to vector<2048x8xi32>
      %convert_element_type3A_198 = arith.sitofp %convert_element_type3A_197 : vector<2048x8xi32> to vector<2048x8xf32>
      %get3A_199 = arith.constant 0 : index
      %get3A_200 = arith.constant 0 : index
      %get3A_201 = vector.load %arg14[%get3A_199, %get3A_200] : memref<2048x1xi32, #tpu.memory_space<vmem>>, vector<2048x1xi32>
      %eq3A_202 = vector.broadcast %get3A_201 : vector<2048x1xi32> to vector<2048x8xi32>
      %eq3A_203 = arith.cmpi eq, %iota3A_191, %eq3A_202 : vector<2048x8xi32>
      %convert_element_type3A_204 = arith.extui %eq3A_203 : vector<2048x8xi1> to vector<2048x8xi32>
      %convert_element_type3A_205 = arith.sitofp %convert_element_type3A_204 : vector<2048x8xi32> to vector<2048x8xf32>
      %mul3A_206 = vector.broadcast %floor3A_171 : vector<1x8xf32> to vector<2048x8xf32>
      %mul3A_207 = arith.mulf %convert_element_type3A_198, %mul3A_206 : vector<2048x8xf32>
      %reduce_sum3A_208 = arith.constant dense<0.000000e+00> : vector<2048xf32>
      %reduce_sum3A_209 = vector.multi_reduction <add>, %mul3A_207, %reduce_sum3A_208 [1] : vector<2048x8xf32> to vector<2048xf32>
      %broadcast_in_dim3A_210 = vector.shape_cast %reduce_sum3A_209 : vector<2048xf32> to vector<2048x1xf32>
      %mul3A_211 = vector.broadcast %floor3A_171 : vector<1x8xf32> to vector<2048x8xf32>
      %mul3A_212 = arith.mulf %convert_element_type3A_205, %mul3A_211 : vector<2048x8xf32>
      %reduce_sum3A_213 = arith.constant dense<0.000000e+00> : vector<2048xf32>
      %reduce_sum3A_214 = vector.multi_reduction <add>, %mul3A_212, %reduce_sum3A_213 [1] : vector<2048x8xf32> to vector<2048xf32>
      %broadcast_in_dim3A_215 = vector.shape_cast %reduce_sum3A_214 : vector<2048xf32> to vector<2048x1xf32>
      %get3A_216 = arith.constant 0 : index
      %get3A_217 = arith.constant 0 : index
      %get3A_218 = vector.load %arg15[%get3A_216, %get3A_217] : memref<2048x1xf32, #tpu.memory_space<vmem>>, vector<2048x1xf32>
      %add3A_219 = arith.addf %broadcast_in_dim3A_210, %get3A_218 : vector<2048x1xf32>
      %add3A_220 = arith.constant 5.000000e-01 : f32
      %add3A_221 = vector.broadcast %add3A_220 : f32 to vector<2048x1xf32>
      %add3A_222 = arith.addf %add3A_219, %add3A_221 : vector<2048x1xf32>
      %convert_element_type3A_223 = arith.fptosi %add3A_222 : vector<2048x1xf32> to vector<2048x1xi32>
      %swap3A_224 = arith.constant 0 : index
      %swap3A_225 = arith.constant 0 : index
      %swap3A_226 = vector.load %arg9[%swap3A_224, %swap3A_225] : memref<2048x1xi32, #tpu.memory_space<vmem>>, vector<2048x1xi32>
      tpu.vector_store %arg9[%swap3A_224, %swap3A_225], %convert_element_type3A_223 {strides = array<i32>} : memref<2048x1xi32, #tpu.memory_space<vmem>>, vector<2048x1xi32>,
      %get3A_227 = arith.constant 0 : index
      %get3A_228 = arith.constant 0 : index
      %get3A_229 = vector.load %arg16[%get3A_227, %get3A_228] : memref<2048x1xf32, #tpu.memory_space<vmem>>, vector<2048x1xf32>
      %add3A_230 = arith.addf %broadcast_in_dim3A_215, %get3A_229 : vector<2048x1xf32>
      %add3A_231 = arith.constant 5.000000e-01 : f32
      %add3A_232 = vector.broadcast %add3A_231 : f32 to vector<2048x1xf32>
      %add3A_233 = arith.addf %add3A_230, %add3A_232 : vector<2048x1xf32>
      %convert_element_type3A_234 = arith.fptosi %add3A_233 : vector<2048x1xf32> to vector<2048x1xi32>
      %swap3A_235 = arith.constant 0 : index
      %swap3A_236 = arith.constant 0 : index
      %swap3A_237 = vector.load %arg10[%swap3A_235, %swap3A_236] : memref<2048x1xi32, #tpu.memory_space<vmem>>, vector<2048x1xi32>
      tpu.vector_store %arg10[%swap3A_235, %swap3A_236], %convert_element_type3A_234 {strides = array<i32>} : memref<2048x1xi32, #tpu.memory_space<vmem>>, vector<2048x1xi32>,
    } else {
    }
    return
  }
  func.func @transform_0(%arg0: i32) -> (i32, i32) {
    %c0_i32 = arith.constant 0 : i32
    %c0_i32_0 = arith.constant 0 : i32
    return %arg0, %c0_i32 : i32, i32
  }
  func.func @transform_1(%arg0: i32) -> (i32, i32) {
    %c0_i32 = arith.constant 0 : i32
    %c0_i32_0 = arith.constant 0 : i32
    %c0_i32_1 = arith.constant 0 : i32
    return %c0_i32, %c0_i32_0 : i32, i32
  }
  func.func @transform_2(%arg0: i32) -> (i32, i32) {
    %c0_i32 = arith.constant 0 : i32
    %c0_i32_0 = arith.constant 0 : i32
    %c0_i32_1 = arith.constant 0 : i32
    return %c0_i32, %c0_i32_0 : i32, i32
  }
  func.func @transform_3(%arg0: i32) -> (i32, i32) {
    %c0_i32 = arith.constant 0 : i32
    %c0_i32_0 = arith.constant 0 : i32
    return %arg0, %c0_i32 : i32, i32
  }
  func.func @transform_4(%arg0: i32) -> (i32, i32) {
    %c0_i32 = arith.constant 0 : i32
    %c0_i32_0 = arith.constant 0 : i32
    return %arg0, %c0_i32 : i32, i32
  }
  func.func @transform_5(%arg0: i32) -> (i32, i32) {
    %c0_i32 = arith.constant 0 : i32
    %c0_i32_0 = arith.constant 0 : i32
    return %arg0, %c0_i32 : i32, i32
  }
  func.func @transform_6(%arg0: i32) -> (i32, i32) {
    %c0_i32 = arith.constant 0 : i32
    %c0_i32_0 = arith.constant 0 : i32
    return %arg0, %c0_i32 : i32, i32
  }
  func.func @transform_7(%arg0: i32) -> (i32, i32) {
    %c0_i32 = arith.constant 0 : i32
    %c0_i32_0 = arith.constant 0 : i32
    return %arg0, %c0_i32 : i32, i32
  }
  func.func @transform_8(%arg0: i32) -> (i32, i32) {
    %c0_i32 = arith.constant 0 : i32
    %c0_i32_0 = arith.constant 0 : i32
    %c0_i32_1 = arith.constant 0 : i32
    return %c0_i32, %c0_i32_0 : i32, i32
  }
  func.func @transform_9(%arg0: i32) -> (i32, i32) {
    %c0_i32 = arith.constant 0 : i32
    %c0_i32_0 = arith.constant 0 : i32
    %c0_i32_1 = arith.constant 0 : i32
    return %c0_i32, %c0_i32_0 : i32, i32
  }
  func.func @transform_10(%arg0: i32) -> (i32, i32) {
    %c0_i32 = arith.constant 0 : i32
    %c0_i32_0 = arith.constant 0 : i32
    %c0_i32_1 = arith.constant 0 : i32
    return %c0_i32, %c0_i32_0 : i32, i32
  }
  func.func @transform_11(%arg0: i32) -> (i32, i32) {
    %c0_i32 = arith.constant 0 : i32
    %c0_i32_0 = arith.constant 0 : i32
    %c0_i32_1 = arith.constant 0 : i32
    return %c0_i32, %c0_i32_0 : i32, i32
  }
}

module attributes {stable_mosaic.version = 14 : i64} {
  func.func @_ffn_body(%arg0: i32, %arg1: memref<24xi32, #tpu.memory_space<smem>>, %arg2: memref<256x768xf32, #tpu.memory_space<vmem>>, %arg3: memref<1x1536x768xf32, #tpu.memory_space<vmem>>, %arg4: memref<1x1x1536xf32, #tpu.memory_space<vmem>>, %arg5: memref<1x768x1536xf32, #tpu.memory_space<vmem>>, %arg6: memref<1x1x768xf32, #tpu.memory_space<vmem>>, %arg7: memref<256x768xf32, #tpu.memory_space<vmem>>) attributes {dimension_semantics = [#tpu.dimension_semantics<arbitrary>], iteration_bounds = array<i64: 24>, scalar_prefetch = 1 : i64, scratch_operands = 0 : i64, tpu.core_type = #tpu.core_type<tc>, window_params = [{transform_indices = @transform_0, window_bounds = array<i64: 256, 768>}, {transform_indices = @transform_1, window_bounds = array<i64: 1, 1536, 768>}, {transform_indices = @transform_2, window_bounds = array<i64: 1, 1, 1536>}, {transform_indices = @transform_3, window_bounds = array<i64: 1, 768, 1536>}, {transform_indices = @transform_4, window_bounds = array<i64: 1, 1, 768>}, {transform_indices = @transform_5, window_bounds = array<i64: 256, 768>}]} {
    %get3A = arith.constant 0 : index
    %get3A_0 = arith.constant 0 : index
    %get3A_1 = vector.load %arg2[%get3A, %get3A_0] : memref<256x768xf32, #tpu.memory_space<vmem>>, vector<256x768xf32>
    %get3A_2 = arith.constant 0 : index
    %get3A_3 = arith.constant 0 : index
    %get3A_4 = arith.constant 0 : index
    %get3A_5 = vector.load %arg3[%get3A_2, %get3A_3, %get3A_4] : memref<1x1536x768xf32, #tpu.memory_space<vmem>>, vector<1x1536x768xf32>
    %get3A_6 = vector.shape_cast %get3A_5 : vector<1x1536x768xf32> to vector<1536x768xf32>
    %dot_general3A = arith.constant dense<0.000000e+00> : vector<256x1536xf32>
    %dot_general3A_7 = tpu.matmul %get3A_1, %get3A_6, %dot_general3A {dimension_numbers = #tpu.dot_dimension_numbers<[1], [1], [0], [0], [0, 0, 1, 0], [], []>, transpose_lhs_hint = false} : vector<256x768xf32>, vector<1536x768xf32>, vector<256x1536xf32> -> vector<256x1536xf32>
    %get3A_8 = arith.constant 0 : index
    %get3A_9 = arith.constant 0 : index
    %get3A_10 = arith.constant 0 : index
    %get3A_11 = vector.load %arg4[%get3A_8, %get3A_9, %get3A_10] : memref<1x1x1536xf32, #tpu.memory_space<vmem>>, vector<1x1x1536xf32>
    %get3A_12 = vector.shape_cast %get3A_11 : vector<1x1x1536xf32> to vector<1x1536xf32>
    %add3A = vector.broadcast %get3A_12 : vector<1x1536xf32> to vector<256x1536xf32>
    %add3A_13 = arith.addf %dot_general3A_7, %add3A : vector<256x1536xf32>
    %mul3A = arith.constant 4.471500e-02 : f32
    %mul3A_14 = vector.broadcast %mul3A : f32 to vector<256x1536xf32>
    %mul3A_15 = arith.mulf %mul3A_14, %add3A_13 : vector<256x1536xf32>
    %mul3A_16 = arith.mulf %mul3A_15, %add3A_13 : vector<256x1536xf32>
    %mul3A_17 = arith.mulf %mul3A_16, %add3A_13 : vector<256x1536xf32>
    %add3A_18 = arith.addf %add3A_13, %mul3A_17 : vector<256x1536xf32>
    %mul3A_19 = arith.constant 0.797884583 : f32
    %mul3A_20 = vector.broadcast %mul3A_19 : f32 to vector<256x1536xf32>
    %mul3A_21 = arith.mulf %mul3A_20, %add3A_18 : vector<256x1536xf32>
    %mul3A_22 = arith.constant 5.000000e-01 : f32
    %mul3A_23 = vector.broadcast %mul3A_22 : f32 to vector<256x1536xf32>
    %mul3A_24 = arith.mulf %mul3A_23, %add3A_13 : vector<256x1536xf32>
    %tanh3A = math.tanh %mul3A_21 : vector<256x1536xf32>
    %add3A_25 = arith.constant 1.000000e+00 : f32
    %add3A_26 = vector.broadcast %add3A_25 : f32 to vector<256x1536xf32>
    %add3A_27 = arith.addf %add3A_26, %tanh3A : vector<256x1536xf32>
    %mul3A_28 = arith.mulf %mul3A_24, %add3A_27 : vector<256x1536xf32>
    %get3A_29 = arith.constant 0 : index
    %get3A_30 = arith.constant 0 : index
    %get3A_31 = arith.constant 0 : index
    %get3A_32 = vector.load %arg5[%get3A_29, %get3A_30, %get3A_31] : memref<1x768x1536xf32, #tpu.memory_space<vmem>>, vector<1x768x1536xf32>
    %get3A_33 = vector.shape_cast %get3A_32 : vector<1x768x1536xf32> to vector<768x1536xf32>
    %dot_general3A_34 = arith.constant dense<0.000000e+00> : vector<256x768xf32>
    %dot_general3A_35 = tpu.matmul %mul3A_28, %get3A_33, %dot_general3A_34 {dimension_numbers = #tpu.dot_dimension_numbers<[1], [1], [0], [0], [0, 0, 1, 0], [], []>, transpose_lhs_hint = false} : vector<256x1536xf32>, vector<768x1536xf32>, vector<256x768xf32> -> vector<256x768xf32>
    %get3A_36 = arith.constant 0 : index
    %get3A_37 = arith.constant 0 : index
    %get3A_38 = arith.constant 0 : index
    %get3A_39 = vector.load %arg6[%get3A_36, %get3A_37, %get3A_38] : memref<1x1x768xf32, #tpu.memory_space<vmem>>, vector<1x1x768xf32>
    %get3A_40 = vector.shape_cast %get3A_39 : vector<1x1x768xf32> to vector<1x768xf32>
    %add3A_41 = vector.broadcast %get3A_40 : vector<1x768xf32> to vector<256x768xf32>
    %add3A_42 = arith.addf %dot_general3A_35, %add3A_41 : vector<256x768xf32>
    %swap3A = arith.constant 0 : index
    %swap3A_43 = arith.constant 0 : index
    %swap3A_44 = vector.load %arg7[%swap3A, %swap3A_43] : memref<256x768xf32, #tpu.memory_space<vmem>>, vector<256x768xf32>
    tpu.vector_store %arg7[%swap3A, %swap3A_43], %add3A_42 {strides = array<i32>} : memref<256x768xf32, #tpu.memory_space<vmem>>, vector<256x768xf32>,
    return
  }
  func.func @transform_0(%arg0: i32, %arg1: memref<24xi32, #tpu.memory_space<smem>>) -> (i32, i32) {
    %c0_i32 = arith.constant 0 : i32
    %c0_i32_0 = arith.constant 0 : i32
    return %arg0, %c0_i32 : i32, i32
  }
  func.func @transform_1(%arg0: i32, %arg1: memref<24xi32, #tpu.memory_space<smem>>) -> (i32, i32, i32) {
    %get3A = arith.index_cast %arg0 : i32 to index
    %get3A_0 = memref.load %arg1[%get3A] : memref<24xi32, #tpu.memory_space<smem>>
    %c0_i32 = arith.constant 0 : i32
    %c0_i32_1 = arith.constant 0 : i32
    %c0_i32_2 = arith.constant 0 : i32
    return %get3A_0, %c0_i32, %c0_i32_1 : i32, i32, i32
  }
  func.func @transform_2(%arg0: i32, %arg1: memref<24xi32, #tpu.memory_space<smem>>) -> (i32, i32, i32) {
    %get3A = arith.index_cast %arg0 : i32 to index
    %get3A_0 = memref.load %arg1[%get3A] : memref<24xi32, #tpu.memory_space<smem>>
    %c0_i32 = arith.constant 0 : i32
    %c0_i32_1 = arith.constant 0 : i32
    %c0_i32_2 = arith.constant 0 : i32
    return %get3A_0, %c0_i32, %c0_i32_1 : i32, i32, i32
  }
  func.func @transform_3(%arg0: i32, %arg1: memref<24xi32, #tpu.memory_space<smem>>) -> (i32, i32, i32) {
    %get3A = arith.index_cast %arg0 : i32 to index
    %get3A_0 = memref.load %arg1[%get3A] : memref<24xi32, #tpu.memory_space<smem>>
    %c0_i32 = arith.constant 0 : i32
    %c0_i32_1 = arith.constant 0 : i32
    %c0_i32_2 = arith.constant 0 : i32
    return %get3A_0, %c0_i32, %c0_i32_1 : i32, i32, i32
  }
  func.func @transform_4(%arg0: i32, %arg1: memref<24xi32, #tpu.memory_space<smem>>) -> (i32, i32, i32) {
    %get3A = arith.index_cast %arg0 : i32 to index
    %get3A_0 = memref.load %arg1[%get3A] : memref<24xi32, #tpu.memory_space<smem>>
    %c0_i32 = arith.constant 0 : i32
    %c0_i32_1 = arith.constant 0 : i32
    %c0_i32_2 = arith.constant 0 : i32
    return %get3A_0, %c0_i32, %c0_i32_1 : i32, i32, i32
  }
  func.func @transform_5(%arg0: i32, %arg1: memref<24xi32, #tpu.memory_space<smem>>) -> (i32, i32) {
    %c0_i32 = arith.constant 0 : i32
    %c0_i32_0 = arith.constant 0 : i32
    return %arg0, %c0_i32 : i32, i32
  }
}

</mosaic_0001>

<sc_bundles>
// kernel: kernel.6.cloned.1.call-start
scs
__scs_entry_jumppad:
0x0: {  	(pc) =	sbr.rel $0x88, $3  }
0x1: {  	(tag) =	ssettag $0x0;
	lr =	simm.s32 $0x1  }
0x2: {  	[smem:$0x3F99] =	sst lr;
	_ =	strace $0xD0000000  }
0x3: {  	_ = 	snop  }
0x4: {  	_ = 	snop  }
0x5: {  	_ = 	snop  }
0x6: {  	_ = 	snop  }
0x7: {  	_ = 	snop  }
__scs_overlays_trampoline_lowered:
0x8: {  	[smem:$0x3FA8] =	sst s0  }
0x9: {  	[smem:$0x3FA9] =	sst s1  }
0xa: {  	[smem:$0x3FAA] =	sst s2  }
0xb: {  	[smem:$0x3FAB] =	sst s3  }
0xc: {  	[smem:$0x3FAC] =	sst s4  }
0xd: {  	[smem:$0x3FAD] =	sst s5  }
0xe: {  	[smem:$0x3FAE] =	sst s6  }
0xf: {  	[smem:$0x3FAF] =	sst s7  }
0x10: {  	[smem:$0x3FB0] =	sst s8  }
0x11: {  	[smem:$0x3FB1] =	sst s9;
	s0 =	simm.s32 @!p0 $0x0  }
0x12: {  	s1 =	sld [smem:$0x3F97];
	s0 =	simm.s32 @p0 $0x1  }
0x13: {  	[smem:$0x3FB2] =	sst s0;
	s0 =	simm.s32 @!p1 $0x0  }
0x14: {  	s2 =	sld [smem:$0x3F96];
	s0 =	simm.s32 @p1 $0x1  }
0x15: {  	[smem:$0x3FB3] =	sst s0;
	s0 =	simm.s32 @!p2 $0x0  }
0x16: {  	s3 =	sld [smem:$0x3FDB];
	s0 =	simm.s32 @p2 $0x1  }
0x17: {  	s4 =	simm.s32 $0x1BF5;
	[smem:$0x3FB5] =	sst s0  }
0x18: {  	s0 =	sld [smem:$0x3F98];
	_ =	swait.ge [sflag:s4], $0x0  }
0x19: {  	s7 =	sld [smem:$0x3F99]  }
0x1a: {  	s8 =	sadd.s32 $0xFFFFE003, lr  }
0x1b: {  	s9 =	sadd.s32 $0xFFFFFEF7, lr;
	s5 =	simm.s32 $0xFFFFFFFF;
	p2 =	slt.u32 s8, $0xFFFFF086  }
0x1c: {  	p1 =	slt.u32 s9, $0xF7A;
	s5 =	simm.s32 @!p2 $0x0  }
0x1d: {  	s5 =	simm.s32 @p1 $0x1;
	p0 =	seq.s32 s7, s2  }
0x1e: {  	s7 =	smul.u32 @!p0 $0xF7A, s2;
	p2 =	seq.s32 @!p0 s5, $0x0  }
0x1f: {  	s9 =	smul.u32 $0xF7A, s1;
	s8 =	simm.s32 @!p0 $0x1BF5;
	p2 =	por !p2, p0  }
0x20: {  	[sflag:s8] =	ssyncset.s32 @!p0 $0xFFFFF086;
	s6 =	sadd.s32 @!p0 s3, s7;
	s7 =	simm.s32 @!p0 $0x108  }
0x21: {  	s3 =	sadd.s32 s3, s9;
	s6 =	sadd.s32 @!p0 $0x88, s6;
	s7 =	simm.s32 @p2 $0x1082  }
0x22: {  	[simem:s7], [sflag:s8] =	dma.local @!p0 [hbm:s6], $0xF7A  }
0x23: {  	s9 =	sor.u32 $0xD0000000, s2;
	s6 =	simm.s32 $0x108;
	_ =	swait.ge @!p0 [sflag:s8], $0x0  }
0x24: {  	s3 =	sadd.s32 $0x88, s3;
	s6 =	simm.s32 @!p1 $0x1082;
	[sflag:s4] =	ssyncset.s32 $0xFFFFF086  }
0x25: {  	[simem:s6], [sflag:s4] =	dma.local [hbm:s3], $0xF7A  }
0x26: {  	[smem:$0x3F99] =	sst s1;
	(tag) =	ssettag s2;
	_ =	strace s9  }
0x27: {  	s1 =	sld [smem:$0x3FA9]  }
0x28: {  	s2 =	sld [smem:$0x3FAA]  }
0x29: {  	s4 =	sld [smem:$0x3FAC]  }
0x2a: {  	p0 =	seq.s32 s5, $0x0;
	s5 =	sld [smem:$0x3FAD]  }
0x2b: {  	s6 =	sld [smem:$0x3FAE]  }
0x2c: {  	s7 =	sld [smem:$0x3FAF]  }
0x2d: {  	s3 =	simm.s32 $0x108;
	s8 =	sld [smem:$0x3FB0]  }
0x2e: {  	s3 =	simm.s32 @!p0 $0x1082;
	s9 =	sld [smem:$0x3FB1]  }
0x2f: {  	lr =	sadd.s32 s0, s3;
	s0 =	sld [smem:$0x3FA8]  }
0x30: {  	s3 =	sld [smem:$0x3FAB]  }
0x31: {  	[smem:$0x3FB4] =	sst s10  }
0x32: {  	s10 =	sld [smem:$0x3FB2];
	_ =	sdelay $0x3  }
0x33: {  	p0 =	seq.s32 s10, $0x1;
	s10 =	sld [smem:$0x3FB4];
	_ =	sdelay $0x3  }
0x34: {  	[smem:$0x3FB4] =	sst s10  }
0x35: {  	s10 =	sld [smem:$0x3FB3];
	_ =	sdelay $0x3  }
0x36: {  	p1 =	seq.s32 s10, $0x1;
	s10 =	sld [smem:$0x3FB4];
	_ =	sdelay $0x3  }
0x37: {  	[smem:$0x3FB4] =	sst s10  }
0x38: {  	s10 =	sld [smem:$0x3FB5]  }
0x39: {  	_ = 	snop;
	(pc) =	sbr.ind lr, $3  }
0x3a: {  	_ = 	snop  }
0x3b: {  	_ = 	snop  }
0x3c: {  	p2 =	seq.s32 s10, $0x1;
	s10 =	sld [smem:$0x3FB4]  }
0x3d: {  	_ =	shalt  }
0x3e: {  	_ =	shalt  }
0x3f: {  	_ =	shalt  }
0x40: {  	_ =	shalt  }
0x41: {  	_ =	shalt  }
0x42: {  	_ =	shalt  }
0x43: {  	_ =	shalt  }
0x44: {  	_ =	shalt  }
0x45: {  	_ =	shalt  }
0x46: {  	_ =	shalt  }
0x47: {  	_ =	shalt  }
0x48: {  	_ =	shalt  }
0x49: {  	_ =	shalt  }
0x4a: {  	_ =	shalt  }
0x4b: {  	_ =	shalt  }
0x4c: {  	_ =	shalt  }
0x4d: {  	_ =	shalt  }
0x4e: {  	_ =	shalt  }
0x4f: {  	_ =	shalt  }
0x50: {  	_ =	shalt  }
0x51: {  	_ =	shalt  }
0x52: {  	_ =	shalt  }
0x53: {  	_ =	shalt  }
0x54: {  	_ =	shalt  }
0x55: {  	_ =	shalt  }
0x56: {  	_ =	shalt  }
0x57: {  	_ =	shalt  }
0x58: {  	_ =	shalt  }
0x59: {  	_ =	shalt  }
0x5a: {  	_ =	shalt  }
0x5b: {  	_ =	shalt  }
0x5c: {  	_ =	shalt  }
0x5d: {  	_ =	shalt  }
0x5e: {  	_ =	shalt  }
0x5f: {  	_ =	shalt  }
0x60: {  	_ =	shalt  }
0x61: {  	_ =	shalt  }
0x62: {  	_ =	shalt  }
0x63: {  	_ =	shalt  }
0x64: {  	_ =	shalt  }
0x65: {  	_ =	shalt  }
0x66: {  	_ =	shalt  }
0x67: {  	_ =	shalt  }
0x68: {  	_ =	shalt  }
0x69: {  	_ =	shalt  }
0x6a: {  	_ =	shalt  }
0x6b: {  	_ =	shalt  }
0x6c: {  	_ =	shalt  }
0x6d: {  	_ =	shalt  }
0x6e: {  	_ =	shalt  }
0x6f: {  	_ =	shalt  }
0x70: {  	_ =	shalt  }
0x71: {  	_ =	shalt  }
0x72: {  	_ =	shalt  }
0x73: {  	_ =	shalt  }
0x74: {  	_ =	shalt  }
0x75: {  	_ =	shalt  }
0x76: {  	_ =	shalt  }
0x77: {  	_ =	shalt  }
0x78: {  	_ =	shalt  }
0x79: {  	_ =	shalt  }
0x7a: {  	_ =	shalt  }
0x7b: {  	_ =	shalt  }
0x7c: {  	_ =	shalt  }
0x7d: {  	_ =	shalt  }
0x7e: {  	_ =	shalt  }
0x7f: {  	_ =	shalt  }
0x80: {  	_ =	shalt  }
0x81: {  	_ =	shalt  }
0x82: {  	_ =	shalt  }
0x83: {  	_ =	shalt  }
0x84: {  	_ =	shalt  }
0x85: {  	_ =	shalt  }
0x86: {  	_ =	shalt  }
0x87: {  	_ =	shalt  }
.Lfunc_end0:
.L_simem_size_0:
called_computation_lowered:
.L_overlay_start_0:
0x88: {  	s2 =	sld [smem:$0x3FD9]  }
0x89: {  	s3 =	sld [smem:$0x3FFE];
	_ =	sdelay $0x1  }
0x8a: {  	s1 =	srdreg.scid  }
0x8b: {  	s0 =	sand.u32 $0x1, s1  }
0x8c: {  	s14 =	sshll.u32 s0, $0xA;
	s2 =	sadd.s32 s3, s2  }
0x8d: {  	s2 =	sadd.s32 s2, s14  }
0x8e: {  	[smem:$0x3FC0] =	sst s2  }
0x8f: {  	_ = 	snop  }
0x90: {  	s2 =	sld [smem:$0x3FD0];
	_ =	sdelay $0x2  }
0x91: {  	s15 =	simm.s32 $0xA;
	s4 =	simm.s32 $0x10  }
0x92: {  	[smem:s4], [sflag:s15] =	dma.local [hbm:s2], $0x1  }
0x93: {  	_ =	swait.eq [sflag:s15], $0x1  }
0x94: {  	[sflag:s15] =	ssyncset.done $0x0  }
0x95: {  	[sflag:s15] =	ssyncadd.s32 $0xFFFFFFFF  }
0x96: {  	s16 =	sld [smem:$0x10];
	(tm) =	ssettm $0x1  }
0x97: {  	s17 =	sld [smem:$0x3FFB];
	_ =	sdelay $0x3  }
0x98: {  	_ =	strace s17  }
0x99: {  	s3 =	sld [smem:$0x3FFC];
	_ =	sdelay $0x3  }
0x9a: {  	_ =	strace s3  }
0x9b: {  	s3 =	sld [smem:$0x3FFD];
	_ =	sdelay $0x3  }
0x9c: {  	_ =	strace s3  }
0x9d: {  	_ =	strace $0x8FFFFFFF  }
0x9e: {  	s18 =	sld [smem:$0x3FDB];
	_ =	sdelay $0x1  }
0x9f: {  	s19 =	simm.s32 $_scs_section_size  }
0xa0: {  	s5 =	simm.s32 $_size__tile_overlayer_lowered;
	s6 =	simm.s32 $_tile_overlayer_lowered  }
0xa1: {  	s22 =	simm.s32 $0x1BFF;
	s21 =	sshll.u32 s6, $0x1;
	s3 =	sadd.s32 s19, s18  }
0xa2: {  	s7 =	simm.s32 $0x0;
	s20 =	sshll.u32 s5, $0x1;
	s5 =	sadd.s32 s21, s3  }
0xa3: {  	[timem:s7], [sflag:s22] =	dma.local [hbm:s5], s20  }
0xa4: {  	_ =	swait.ge [sflag:s22], s20  }
0xa5: {  	s4 =	ssub.s32 $0x0, s20;
	[sflag:s22] =	ssyncset.done $0x0  }
0xa6: {  	[sflag:s22] =	ssyncadd.s32 s4;
	_ =	sdelay $0x1  }
0xa7: {  	s23 =	simm.s32 $0x1B8B  }
0xa8: {  	_ =	swait.ge [sflag:s23], $0x1  }
0xa9: {  	[sflag:s23] =	ssyncset.done $0x0  }
0xaa: {  	s25 =	simm.s32 $0x1B8E;
	s24 =	sld [smem:$0x3FFE];
	[sflag:s23] =	ssyncadd.s32 $0xFFFFFFFF  }
0xab: {  	s26 =	simm.s32 $execute0_lowered;
	[smem:$0x3FD2] =	sst s25  }
0xac: {  	s5 =	sshll.u32 s26, $0x1;
	_ =	strace $0x80000046;
	[dreg:$0x1] =	wrdreg $0xFFFFFFFF  }
0xad: {  	s28 =	simm.s32 $_size_execute0_lowered;
	s3 =	sadd.s32 s3, s5;
	[dreg:$0x0] =	wrdreg $0x0  }
0xae: {  	s5 =	sshll.u32 s28, $0x1;
	[dreg:$0x2] =	wrdreg s3  }
0xaf: {  	[dreg:$0x3] =	wrdreg s5  }
0xb0: {  	[dreg:$0x4] =	wrdreg $0xC0  }
0xb1: {  	_ =	task [dreg:s7], $0x5FFFF  }
0xb2: {  	[dreg:$0x1] =	wrdreg $0xFFFFFFFF  }
0xb3: {  	[dreg:$0x0] =	wrdreg $0x60  }
0xb4: {  	[dreg:$0x2] =	wrdreg s16  }
0xb5: {  	[dreg:$0x3] =	wrdreg s24  }
0xb6: {  	[dreg:$0x4] =	wrdreg $0x9  }
0xb7: {  	_ =	task.clear_ibuf [dreg:s7], $0x5FFFF;
	_ =	strace $0x90000046  }
0xb8: {  	s29 =	simm.s32 $0x9;
	_ =	strace $0x80000048  }
0xb9: {  	_ =	swait.ge [sflag:s29], $0x1  }
0xba: {  	[sflag:s29] =	ssyncadd.s32 $0xFFFFFFFF  }
0xbb: {  	_ =	strace $0x90000048  }
0xbc: {  	_ =	sfence  }
0xbd: {  	s30 =	sld [smem:$0x0];
	_ =	sdelay $0x2  }
0xbe: {  	s31 =	sshll.u32 s1, $0xD;
	s1 =	sshrl.u32 s1, $0x2  }
0xbf: {  	s3 =	sand.u32 $0x4000, s31;
	s1 =	sadd.s32 s1, s30  }
0xc0: {  	s0 =	sor.u32 s3, s0;
	s1 =	sshll.u32 s1, $0x11  }
0xc1: {  	s0 =	sor.u32 s1, s0  }
0xc2: {  	s0 =	sadd.s32 $0x8F2B, s0  }
0xc3: {  	[sflag:s0] =	ssyncadd.remote.s32 $0x1  }
0xc4: {  	_ =	sfence.sel $0xFFFF  }
0xc5: {  	[dreg:$0x0] =	wrdreg $0xFFFFFFFF;
	(pc) =	sbr.abs _section_cstart, $3  }
0xc6: {  	[dreg:$0x1] =	wrdreg $0xFFFFFFFF  }
0xc7: {  	_ =	task.clear_ibuf [dreg:s7], $0x2FFFF;
	_ =	strace $0x9FFFFFFF  }
0xc8: {  	(tm) =	ssettm $0x7FFFFFFF  }
0xc9: {  	_ =	shalt  }
tec
execute0_lowered:
.L_overlay_start_1:
0x0: {  	(tag) =	ssettag $0x1  }
0x1: {  	s0 =	rddreg [dreg:$0x0]  }
0x2: {  	s1 =	rddreg [dreg:$0x1]  }
0x3: {  	s3 =	srdreg.scid;
	s2 =	simm.s32 $0x0;
	s4 =	stileid.u32  }
0x4: {  	s8 =	simm.s32 $0x3;
	s26 =	simm.s32 $0x80;
	s10 =	simm.s32 $0x2  }
0x5: {  	s13 =	simm.s32 $0x1900;
	s14 =	simm.s32 $0x2100;
	s15 =	simm.s32 $0x2900  }
0x6: {  	s16 =	simm.s32 $0x3100;
	s17 =	simm.s32 $0x3900;
	s18 =	simm.s32 $0x4100  }
0x7: {  	s19 =	simm.s32 $0x4900;
	s20 =	simm.s32 $0x5100;
	s21 =	simm.s32 $0x5900  }
0x8: {  	s22 =	simm.s32 $0x6100;
	s23 =	simm.s32 $0x6900;
	s24 =	simm.s32 $0x7100  }
0x9: {  	s25 =	simm.s32 $0x7900;
	s28 =	simm.s32 $0x8900;
	s29 =	simm.s32 $0x9100  }
0xa: {  	s30 =	simm.s32 $0x9900;
	s31 =	simm.s32 $0xA100;
	s9 =	simm.s32 $0xB900  }
0xb: {  	s3 =	sand.u32 $0x1, s3;
	[smem:$0x7FF] =	sst s2;
	s4 =	sshll.u32 s4, $0x4  }
0xc: {  	s5 =	sshll.u32 s3, $0x3;
	_ =	strace $0x80000047;
	s3 =	ssub.s32 $0x2, s3  }
0xd: {  	[dreg:$0x5] =	wrdreg s26;
	s26 =	simm.s32 $0x8100;
	s4 =	sor.u32 s5, s4  }
0xe: {  	s6 =	sshrl.u32 s3, $0x1;
	s7 =	sadd.s32 s1, s4;
	s5 =	smul.u32 $0x300, s4  }
0xf: {  	s4 =	sadd.s32 $0x400, s1;
	[dreg:$0x6] =	wrdreg s7;
	s7 =	sadd.s32 $0x200, s7  }
0x10: {  	v2 =	vlaneseq.u32;
	s3 =	ssub.s32 s3, s6;
	s6 =	sadd.s32 $0x600, s1;
	[dreg:$0x3] =	wrdreg s7  }
0x11: {  	vm0 =	vmmov $0xffff;
	v1 =	vshrl.u32 v2, $0x3;
	s0 =	sadd.s32 s0, s5;
	s5 =	sadd.s32 $0x500, s1;
	s7 =	smax.u32 s3, $0x1  }
0x12: {  	v0 =	vand.u32 $0x7, v2;
	v2 =	vor.u32 $0x8, v2;
	v1 =	vmul.u32 $0x8, v1;
	s3 =	simm.s32 $0x100;
	s1 =	simm.s32 $0xB100;
	[dreg:$0x4] =	wrdreg s0  }
.LBB2_1:
0x13: {  	s11 =	rddreg [dreg:$0x6]  }
0x14: {  	[tilespmem:s2], [sflag:$0x3] =	stream.linear.gather [hbm4b:s11+s2], $0x40, $0x38;
	[tilespmem:$0xC100] =	vst v63  }
0x15: {  	_ =	swait.ge [sflag:s8], $0x40  }
0x16: {  	s0 =	rddreg [dreg:$0x3];
	[sflag:s8] =	ssyncset.done $0x0  }
0x17: {  	s12 =	rddreg [dreg:$0x5];
	[sflag:s8] =	ssyncadd.s32 $0xFFFFFFC0  }
0x18: {  	[tilespmem:s12], [sflag:$0x3] =	stream.linear.gather [hbm4b:s0+s2], $0x40, $0x38;
	[tilespmem:$0xC100] =	vst v63  }
0x19: {  	_ =	swait.ge [sflag:s8], $0x40  }
0x1a: {  	[sflag:s8] =	ssyncset.done $0x0  }
0x1b: {  	s0 =	rddreg [dreg:$0x4];
	[sflag:s8] =	ssyncadd.s32 $0xFFFFFFC0  }
0x1c: {  	[tilespmem:s3], [sflag:$0x3] =	stream.linear.gather [hbm4b:s0+s2], $0xC000, $0x38;
	[tilespmem:$0xC100] =	vst v63  }
0x1d: {  	_ =	swait.ge [sflag:s8], $0xC000  }
0x1e: {  	[sflag:s8] =	ssyncset.done $0x0  }
0x1f: {  	[sflag:s8] =	ssyncadd.s32 $0xFFFF4000  }
0x20: {  	v3 =	vld [tilespmem:$0x0];
	_ =	sdelay $0x4  }
0x21: {  	v4 =	vshrl.u32 v3, $0x3  }
0x22: {  	v4 =	vmul.u32 $0x30, v4  }
0x23: {  	v3 =	vand.u32 $0x7, v3  }
0x24: {  	v3 =	vor.u32 v3, v4  }
0x25: {  	v4 =	vperm.xlane v3, v0;
	_ =	sdelay $0x1  }
0x26: {  	v4 =	vadd.s32 v1, v4;
	_ =	sdelay $0x3  }
0x27: {  	v3 =	vperm.xlane v3, v2  }
0x28: {  	[hbm4b:s4+s2] =	stream.indirect_vreg.scatter [tilespmem:s3], [sflag:$0x1], $0x80, v4, vm0, $0xb8;
	[tilespmem:$0xC100] =	vst v63  }
0x29: {  	s11 =	simm.s32 $0x900;
	v3 =	vadd.s32 v1, v3  }
0x2a: {  	[hbm4b:s5+s2] =	stream.indirect_vreg.scatter [tilespmem:s11], [sflag:$0x1], $0x80, v4, vm0, $0xb8;
	[tilespmem:$0xC100] =	vst v63  }
0x2b: {  	s12 =	simm.s32 $0x1100  }
0x2c: {  	[hbm4b:s6+s2] =	stream.indirect_vreg.scatter [tilespmem:s12], [sflag:$0x1], $0x80, v4, vm0, $0xb8;
	[tilespmem:$0xC100] =	vst v63  }
0x2d: {  	_ = 	snop  }
0x2e: {  	[hbm4b:s4+s2] =	stream.indirect_vreg.scatter [tilespmem:s13], [sflag:$0x1], $0x80, v3, vm0, $0xb8;
	[tilespmem:$0xC100] =	vst v63  }
0x2f: {  	_ = 	snop  }
0x30: {  	[hbm4b:s5+s2] =	stream.indirect_vreg.scatter [tilespmem:s14], [sflag:$0x1], $0x80, v3, vm0, $0xb8;
	[tilespmem:$0xC100] =	vst v63  }
0x31: {  	_ = 	snop  }
0x32: {  	[hbm4b:s6+s2] =	stream.indirect_vreg.scatter [tilespmem:s15], [sflag:$0x1], $0x80, v3, vm0, $0xb8;
	[tilespmem:$0xC100] =	vst v63  }
0x33: {  	v3 =	vld [tilespmem:$0x10];
	_ =	sdelay $0x4  }
0x34: {  	v57 =	vshrl.u32 v3, $0x3  }
0x35: {  	v4 =	vmul.u32 $0x30, v57  }
0x36: {  	v3 =	vand.u32 $0x7, v3  }
0x37: {  	v3 =	vor.u32 v3, v4  }
0x38: {  	v4 =	vperm.xlane v3, v0;
	_ =	sdelay $0x1  }
0x39: {  	v4 =	vadd.s32 v1, v4;
	_ =	sdelay $0x3  }
0x3a: {  	v3 =	vperm.xlane v3, v2  }
0x3b: {  	[hbm4b:s4+s2] =	stream.indirect_vreg.scatter [tilespmem:s16], [sflag:$0x1], $0x80, v4, vm0, $0xb8;
	[tilespmem:$0xC100] =	vst v63  }
0x3c: {  	v3 =	vadd.s32 v1, v3  }
0x3d: {  	[hbm4b:s5+s2] =	stream.indirect_vreg.scatter [tilespmem:s17], [sflag:$0x1], $0x80, v4, vm0, $0xb8;
	[tilespmem:$0xC100] =	vst v63  }
0x3e: {  	_ = 	snop  }
0x3f: {  	[hbm4b:s6+s2] =	stream.indirect_vreg.scatter [tilespmem:s18], [sflag:$0x1], $0x80, v4, vm0, $0xb8;
	[tilespmem:$0xC100] =	vst v63  }
0x40: {  	_ = 	snop  }
0x41: {  	[hbm4b:s4+s2] =	stream.indirect_vreg.scatter [tilespmem:s19], [sflag:$0x1], $0x80, v3, vm0, $0xb8;
	[tilespmem:$0xC100] =	vst v63  }
0x42: {  	_ = 	snop  }
0x43: {  	[hbm4b:s5+s2] =	stream.indirect_vreg.scatter [tilespmem:s20], [sflag:$0x1], $0x80, v3, vm0, $0xb8;
	[tilespmem:$0xC100] =	vst v63  }
0x44: {  	_ = 	snop  }
0x45: {  	[hbm4b:s6+s2] =	stream.indirect_vreg.scatter [tilespmem:s21], [sflag:$0x1], $0x80, v3, vm0, $0xb8;
	[tilespmem:$0xC100] =	vst v63  }
0x46: {  	v3 =	vld [tilespmem:$0x20];
	_ =	sdelay $0x4  }
0x47: {  	v58 =	vshrl.u32 v3, $0x3  }
0x48: {  	v4 =	vmul.u32 $0x30, v58  }
0x49: {  	v3 =	vand.u32 $0x7, v3  }
0x4a: {  	v3 =	vor.u32 v3, v4  }
0x4b: {  	v4 =	vperm.xlane v3, v0;
	_ =	sdelay $0x1  }
0x4c: {  	v4 =	vadd.s32 v1, v4;
	_ =	sdelay $0x3  }
0x4d: {  	v3 =	vperm.xlane v3, v2  }
0x4e: {  	[hbm4b:s4+s2] =	stream.indirect_vreg.scatter [tilespmem:s22], [sflag:$0x1], $0x80, v4, vm0, $0xb8;
	[tilespmem:$0xC100] =	vst v63  }
0x4f: {  	v3 =	vadd.s32 v1, v3  }
0x50: {  	[hbm4b:s5+s2] =	stream.indirect_vreg.scatter [tilespmem:s23], [sflag:$0x1], $0x80, v4, vm0, $0xb8;
	[tilespmem:$0xC100] =	vst v63  }
0x51: {  	_ = 	snop  }
0x52: {  	[hbm4b:s6+s2] =	stream.indirect_vreg.scatter [tilespmem:s24], [sflag:$0x1], $0x80, v4, vm0, $0xb8;
	[tilespmem:$0xC100] =	vst v63  }
0x53: {  	_ = 	snop  }
0x54: {  	[hbm4b:s4+s2] =	stream.indirect_vreg.scatter [tilespmem:s25], [sflag:$0x1], $0x80, v3, vm0, $0xb8;
	[tilespmem:$0xC100] =	vst v63  }
0x55: {  	_ = 	snop  }
0x56: {  	[hbm4b:s5+s2] =	stream.indirect_vreg.scatter [tilespmem:s26], [sflag:$0x1], $0x80, v3, vm0, $0xb8;
	[tilespmem:$0xC100] =	vst v63  }
0x57: {  	_ = 	snop  }
0x58: {  	[hbm4b:s6+s2] =	stream.indirect_vreg.scatter [tilespmem:s28], [sflag:$0x1], $0x80, v3, vm0, $0xb8;
	[tilespmem:$0xC100] =	vst v63  }
0x59: {  	v3 =	vld [tilespmem:$0x30];
	_ =	sdelay $0x4  }
0x5a: {  	v59 =	vshrl.u32 v3, $0x3  }
0x5b: {  	v4 =	vmul.u32 $0x30, v59  }
0x5c: {  	v3 =	vand.u32 $0x7, v3  }
0x5d: {  	v3 =	vor.u32 v3, v4  }
0x5e: {  	v4 =	vperm.xlane v3, v0;
	_ =	sdelay $0x1  }
0x5f: {  	v4 =	vadd.s32 v1, v4;
	_ =	sdelay $0x3  }
0x60: {  	v3 =	vperm.xlane v3, v2  }
0x61: {  	[hbm4b:s4+s2] =	stream.indirect_vreg.scatter [tilespmem:s29], [sflag:$0x1], $0x80, v4, vm0, $0xb8;
	[tilespmem:$0xC100] =	vst v63  }
0x62: {  	v3 =	vadd.s32 v1, v3  }
0x63: {  	[hbm4b:s5+s2] =	stream.indirect_vreg.scatter [tilespmem:s30], [sflag:$0x1], $0x80, v4, vm0, $0xb8;
	[tilespmem:$0xC100] =	vst v63  }
0x64: {  	_ = 	snop  }
0x65: {  	[hbm4b:s6+s2] =	stream.indirect_vreg.scatter [tilespmem:s31], [sflag:$0x1], $0x80, v4, vm0, $0xb8;
	[tilespmem:$0xC100] =	vst v63  }
0x66: {  	s0 =	simm.s32 $0xA900  }
0x67: {  	[hbm4b:s4+s2] =	stream.indirect_vreg.scatter [tilespmem:s0], [sflag:$0x1], $0x80, v3, vm0, $0xb8;
	[tilespmem:$0xC100] =	vst v63  }
0x68: {  	_ = 	snop  }
0x69: {  	[hbm4b:s5+s2] =	stream.indirect_vreg.scatter [tilespmem:s1], [sflag:$0x1], $0x80, v3, vm0, $0xb8;
	[tilespmem:$0xC100] =	vst v63  }
0x6a: {  	_ = 	snop  }
0x6b: {  	[hbm4b:s6+s2] =	stream.indirect_vreg.scatter [tilespmem:s9], [sflag:$0x1], $0x80, v3, vm0, $0xb8;
	[tilespmem:$0xC100] =	vst v63  }
0x6c: {  	v3 =	vld [tilespmem:$0x80];
	_ =	sdelay $0x4  }
0x6d: {  	v60 =	vshrl.u32 v3, $0x3  }
0x6e: {  	v4 =	vmul.u32 $0x30, v60  }
0x6f: {  	v3 =	vand.u32 $0x7, v3  }
0x70: {  	v3 =	vor.u32 v3, v4  }
0x71: {  	v4 =	vperm.xlane v3, v0;
	_ =	sdelay $0x1  }
0x72: {  	v4 =	vadd.s32 v1, v4;
	_ =	sdelay $0x3  }
0x73: {  	v3 =	vperm.xlane v3, v2  }
0x74: {  	[hbm4b:s4+s2] =	stream.indirect_vreg.scatter [tilespmem:s3], [sflag:$0x2], $0x80, v4, vm0, $0xb8;
	[tilespmem:$0xC100] =	vst v63  }
0x75: {  	v3 =	vadd.s32 v1, v3  }
0x76: {  	[hbm4b:s5+s2] =	stream.indirect_vreg.scatter [tilespmem:s11], [sflag:$0x2], $0x80, v4, vm0, $0xb8;
	[tilespmem:$0xC100] =	vst v63  }
0x77: {  	_ = 	snop  }
0x78: {  	[hbm4b:s6+s2] =	stream.indirect_vreg.scatter [tilespmem:s12], [sflag:$0x2], $0x80, v4, vm0, $0xb8;
	[tilespmem:$0xC100] =	vst v63  }
0x79: {  	_ = 	snop  }
0x7a: {  	[hbm4b:s4+s2] =	stream.indirect_vreg.scatter [tilespmem:s13], [sflag:$0x2], $0x80, v3, vm0, $0xb8;
	[tilespmem:$0xC100] =	vst v63  }
0x7b: {  	_ = 	snop  }
0x7c: {  	[hbm4b:s5+s2] =	stream.indirect_vreg.scatter [tilespmem:s14], [sflag:$0x2], $0x80, v3, vm0, $0xb8;
	[tilespmem:$0xC100] =	vst v63  }
0x7d: {  	_ = 	snop  }
0x7e: {  	[hbm4b:s6+s2] =	stream.indirect_vreg.scatter [tilespmem:s15], [sflag:$0x2], $0x80, v3, vm0, $0xb8;
	[tilespmem:$0xC100] =	vst v63  }
0x7f: {  	v3 =	vld [tilespmem:$0x90];
	_ =	sdelay $0x4  }
0x80: {  	v61 =	vshrl.u32 v3, $0x3  }
0x81: {  	v4 =	vmul.u32 $0x30, v61  }
0x82: {  	v3 =	vand.u32 $0x7, v3  }
0x83: {  	v3 =	vor.u32 v3, v4  }
0x84: {  	v4 =	vperm.xlane v3, v0;
	_ =	sdelay $0x1  }
0x85: {  	v4 =	vadd.s32 v1, v4;
	_ =	sdelay $0x3  }
0x86: {  	v3 =	vperm.xlane v3, v2  }
0x87: {  	[hbm4b:s4+s2] =	stream.indirect_vreg.scatter [tilespmem:s16], [sflag:$0x2], $0x80, v4, vm0, $0xb8;
	[tilespmem:$0xC100] =	vst v63  }
0x88: {  	v3 =	vadd.s32 v1, v3  }
0x89: {  	[hbm4b:s5+s2] =	stream.indirect_vreg.scatter [tilespmem:s17], [sflag:$0x2], $0x80, v4, vm0, $0xb8;
	[tilespmem:$0xC100] =	vst v63  }
0x8a: {  	_ = 	snop  }
0x8b: {  	[hbm4b:s6+s2] =	stream.indirect_vreg.scatter [tilespmem:s18], [sflag:$0x2], $0x80, v4, vm0, $0xb8;
	[tilespmem:$0xC100] =	vst v63  }
0x8c: {  	_ = 	snop  }
0x8d: {  	[hbm4b:s4+s2] =	stream.indirect_vreg.scatter [tilespmem:s19], [sflag:$0x2], $0x80, v3, vm0, $0xb8;
	[tilespmem:$0xC100] =	vst v63  }
0x8e: {  	_ = 	snop  }
0x8f: {  	[hbm4b:s5+s2] =	stream.indirect_vreg.scatter [tilespmem:s20], [sflag:$0x2], $0x80, v3, vm0, $0xb8;
	[tilespmem:$0xC100] =	vst v63  }
0x90: {  	_ = 	snop  }
0x91: {  	[hbm4b:s6+s2] =	stream.indirect_vreg.scatter [tilespmem:s21], [sflag:$0x2], $0x80, v3, vm0, $0xb8;
	[tilespmem:$0xC100] =	vst v63  }
0x92: {  	v3 =	vld [tilespmem:$0xA0];
	_ =	sdelay $0x4  }
0x93: {  	v62 =	vshrl.u32 v3, $0x3  }
0x94: {  	v4 =	vmul.u32 $0x30, v62  }
0x95: {  	v3 =	vand.u32 $0x7, v3  }
0x96: {  	v3 =	vor.u32 v3, v4  }
0x97: {  	v4 =	vperm.xlane v3, v0;
	_ =	sdelay $0x1  }
0x98: {  	v4 =	vadd.s32 v1, v4;
	_ =	sdelay $0x3  }
0x99: {  	v3 =	vperm.xlane v3, v2  }
0x9a: {  	[hbm4b:s4+s2] =	stream.indirect_vreg.scatter [tilespmem:s22], [sflag:$0x2], $0x80, v4, vm0, $0xb8;
	[tilespmem:$0xC100] =	vst v63  }
0x9b: {  	v3 =	vadd.s32 v1, v3  }
0x9c: {  	[hbm4b:s5+s2] =	stream.indirect_vreg.scatter [tilespmem:s23], [sflag:$0x2], $0x80, v4, vm0, $0xb8;
	[tilespmem:$0xC100] =	vst v63  }
0x9d: {  	_ = 	snop  }
0x9e: {  	[hbm4b:s6+s2] =	stream.indirect_vreg.scatter [tilespmem:s24], [sflag:$0x2], $0x80, v4, vm0, $0xb8;
	[tilespmem:$0xC100] =	vst v63  }
0x9f: {  	_ = 	snop  }
0xa0: {  	[hbm4b:s4+s2] =	stream.indirect_vreg.scatter [tilespmem:s25], [sflag:$0x2], $0x80, v3, vm0, $0xb8;
	[tilespmem:$0xC100] =	vst v63  }
0xa1: {  	_ = 	snop  }
0xa2: {  	[hbm4b:s5+s2] =	stream.indirect_vreg.scatter [tilespmem:s26], [sflag:$0x2], $0x80, v3, vm0, $0xb8;
	[tilespmem:$0xC100] =	vst v63  }
0xa3: {  	_ = 	snop  }
0xa4: {  	[hbm4b:s6+s2] =	stream.indirect_vreg.scatter [tilespmem:s28], [sflag:$0x2], $0x80, v3, vm0, $0xb8;
	[tilespmem:$0xC100] =	vst v63  }
0xa5: {  	v3 =	vld [tilespmem:$0xB0];
	_ =	sdelay $0x4  }
0xa6: {  	v63 =	vshrl.u32 v3, $0x3  }
0xa7: {  	v4 =	vmul.u32 $0x30, v63  }
0xa8: {  	v3 =	vand.u32 $0x7, v3  }
0xa9: {  	v3 =	vor.u32 v3, v4  }
0xaa: {  	v4 =	vperm.xlane v3, v0;
	_ =	sdelay $0x1  }
0xab: {  	v4 =	vadd.s32 v1, v4;
	_ =	sdelay $0x3  }
0xac: {  	v3 =	vperm.xlane v3, v2  }
0xad: {  	[hbm4b:s4+s2] =	stream.indirect_vreg.scatter [tilespmem:s29], [sflag:$0x2], $0x80, v4, vm0, $0xb8;
	[tilespmem:$0xC100] =	vst v63  }
0xae: {  	v3 =	vadd.s32 v1, v3  }
0xaf: {  	[hbm4b:s5+s2] =	stream.indirect_vreg.scatter [tilespmem:s30], [sflag:$0x2], $0x80, v4, vm0, $0xb8;
	[tilespmem:$0xC100] =	vst v63  }
0xb0: {  	_ = 	snop  }
0xb1: {  	[hbm4b:s6+s2] =	stream.indirect_vreg.scatter [tilespmem:s31], [sflag:$0x2], $0x80, v4, vm0, $0xb8;
	[tilespmem:$0xC100] =	vst v63  }
0xb2: {  	_ = 	snop  }
0xb3: {  	[hbm4b:s4+s2] =	stream.indirect_vreg.scatter [tilespmem:s0], [sflag:$0x2], $0x80, v3, vm0, $0xb8;
	[tilespmem:$0xC100] =	vst v63  }
0xb4: {  	_ = 	snop  }
0xb5: {  	[hbm4b:s5+s2] =	stream.indirect_vreg.scatter [tilespmem:s1], [sflag:$0x2], $0x80, v3, vm0, $0xb8;
	[tilespmem:$0xC100] =	vst v63  }
0xb6: {  	s12 =	simm.s32 $0x1  }
0xb7: {  	[hbm4b:s6+s2] =	stream.indirect_vreg.scatter [tilespmem:s9], [sflag:$0x2], $0x80, v3, vm0, $0xb8;
	[tilespmem:$0xC100] =	vst v63  }
0xb8: {  	p0 =	sne.s32 s7, $0x1;
	_ =	swait.ge [sflag:s12], $0xC000  }
.Ltmp0:
0xb9: {  	[sflag:s12] =	ssyncset.done $0x0;
	(pc) =	sbr.rel @p0 .LBB2_1-.Ltmp0, $4  }
0xba: {  	[sflag:s12] =	ssyncadd.s32 $0xFFFF4000  }
0xbb: {  	_ =	swait.ge [sflag:s10], $0xC000  }
0xbc: {  	[sflag:s10] =	ssyncset.done $0x0  }
0xbd: {  	s7 =	sadd.s32 $0xFFFFFFFF, s7;
	[sflag:s10] =	ssyncadd.s32 $0xFFFF4000  }
0xbe: {  	_ =	sfence.sel $0x180000  }
0xbf: {  	[bflag:$0x0] =	sbarrier.arrive $0xFFFF  }
0xc0: {  	_ =	strace $0x90000047  }
0xc1: {  	s0 =	stileid.u32;
	[bflag:$0x2] =	sbarrier.arrive $0xFFFF  }
0xc2: {  	p0 =	sne.s32 s0, $0x0;
	s0 =	rddreg [dreg:$0x2]  }
0xc3: {  	s0 =	sadd.s32 @!p0 $0x100000, s0  }
0xc4: {  	[sflag:s0] =	ssyncadd.tile.s32 @!p0 $0x1;
	_ =	shalt  }
.Lfunc_end2:
_tile_overlayer_lowered:
.L_overlay_start_2:
0xc5: {  	(tag) =	ssettag $0x2  }
0xc6: {  	s0 =	rddreg [dreg:$0x0];
	s2 =	stileid.u32  }
0xc7: {  	s1 =	rddreg [dreg:$0x1];
	p0 =	sne.s32 s2, $0x0  }
0xc8: {  	s3 =	rddreg [dreg:$0x2];
	[bflag:$0x3] =	sbarrier.arrive $0xFFFF;
	s2 =	simm.s32 @!p0 $0x1C03  }
0xc9: {  	[timem:s3], [sflag:s2] =	dma.local @!p0 [hbm:s0], s1  }
0xca: {  	s0 =	simm.s32 @!p0 $0x3  }
0xcb: {  	_ =	swait.ge @!p0 [sflag:s0], s1  }
0xcc: {  	s1 =	ssub.s32 @!p0 $0x0, s1;
	[sflag:s0] =	ssyncset.done @!p0 $0x0  }
0xcd: {  	[sflag:s0] =	ssyncadd.s32 @!p0 s1  }
0xce: {  	[bflag:$0x3] =	sbarrier.arrive $0xFFFF  }
0xcf: {  	_ =	shalt  }

// kernel: kernel.9.cloned.1.call-start
scs
__scs_entry_jumppad:
0x0: {  	(pc) =	sbr.rel $0x88, $3  }
0x1: {  	(tag) =	ssettag $0x0;
	lr =	simm.s32 $0x1  }
0x2: {  	[smem:$0x3F99] =	sst lr;
	_ =	strace $0xD0000000  }
0x3: {  	_ = 	snop  }
0x4: {  	_ = 	snop  }
0x5: {  	_ = 	snop  }
0x6: {  	_ = 	snop  }
0x7: {  	_ = 	snop  }
__scs_overlays_trampoline_lowered:
0x8: {  	[smem:$0x3FA8] =	sst s0  }
0x9: {  	[smem:$0x3FA9] =	sst s1  }
0xa: {  	[smem:$0x3FAA] =	sst s2  }
0xb: {  	[smem:$0x3FAB] =	sst s3  }
0xc: {  	[smem:$0x3FAC] =	sst s4  }
0xd: {  	[smem:$0x3FAD] =	sst s5  }
0xe: {  	[smem:$0x3FAE] =	sst s6  }
0xf: {  	[smem:$0x3FAF] =	sst s7  }
0x10: {  	[smem:$0x3FB0] =	sst s8  }
0x11: {  	[smem:$0x3FB1] =	sst s9;
	s0 =	simm.s32 @!p0 $0x0  }
0x12: {  	s1 =	sld [smem:$0x3F97];
	s0 =	simm.s32 @p0 $0x1  }
0x13: {  	[smem:$0x3FB2] =	sst s0;
	s0 =	simm.s32 @!p1 $0x0  }
0x14: {  	s2 =	sld [smem:$0x3F96];
	s0 =	simm.s32 @p1 $0x1  }
0x15: {  	[smem:$0x3FB3] =	sst s0;
	s0 =	simm.s32 @!p2 $0x0  }
0x16: {  	s3 =	sld [smem:$0x3FDB];
	s0 =	simm.s32 @p2 $0x1  }
0x17: {  	s4 =	simm.s32 $0x1BF5;
	[smem:$0x3FB5] =	sst s0  }
0x18: {  	s0 =	sld [smem:$0x3F98];
	_ =	swait.ge [sflag:s4], $0x0  }
0x19: {  	s7 =	sld [smem:$0x3F99]  }
0x1a: {  	s8 =	sadd.s32 $0xFFFFE003, lr  }
0x1b: {  	s9 =	sadd.s32 $0xFFFFFEF7, lr;
	s5 =	simm.s32 $0xFFFFFFFF;
	p2 =	slt.u32 s8, $0xFFFFF086  }
0x1c: {  	p1 =	slt.u32 s9, $0xF7A;
	s5 =	simm.s32 @!p2 $0x0  }
0x1d: {  	s5 =	simm.s32 @p1 $0x1;
	p0 =	seq.s32 s7, s2  }
0x1e: {  	s7 =	smul.u32 @!p0 $0xF7A, s2;
	p2 =	seq.s32 @!p0 s5, $0x0  }
0x1f: {  	s9 =	smul.u32 $0xF7A, s1;
	s8 =	simm.s32 @!p0 $0x1BF5;
	p2 =	por !p2, p0  }
0x20: {  	[sflag:s8] =	ssyncset.s32 @!p0 $0xFFFFF086;
	s6 =	sadd.s32 @!p0 s3, s7;
	s7 =	simm.s32 @!p0 $0x108  }
0x21: {  	s3 =	sadd.s32 s3, s9;
	s6 =	sadd.s32 @!p0 $0x88, s6;
	s7 =	simm.s32 @p2 $0x1082  }
0x22: {  	[simem:s7], [sflag:s8] =	dma.local @!p0 [hbm:s6], $0xF7A  }
0x23: {  	s9 =	sor.u32 $0xD0000000, s2;
	s6 =	simm.s32 $0x108;
	_ =	swait.ge @!p0 [sflag:s8], $0x0  }
0x24: {  	s3 =	sadd.s32 $0x88, s3;
	s6 =	simm.s32 @!p1 $0x1082;
	[sflag:s4] =	ssyncset.s32 $0xFFFFF086  }
0x25: {  	[simem:s6], [sflag:s4] =	dma.local [hbm:s3], $0xF7A  }
0x26: {  	[smem:$0x3F99] =	sst s1;
	(tag) =	ssettag s2;
	_ =	strace s9  }
0x27: {  	s1 =	sld [smem:$0x3FA9]  }
0x28: {  	s2 =	sld [smem:$0x3FAA]  }
0x29: {  	s4 =	sld [smem:$0x3FAC]  }
0x2a: {  	p0 =	seq.s32 s5, $0x0;
	s5 =	sld [smem:$0x3FAD]  }
0x2b: {  	s6 =	sld [smem:$0x3FAE]  }
0x2c: {  	s7 =	sld [smem:$0x3FAF]  }
0x2d: {  	s3 =	simm.s32 $0x108;
	s8 =	sld [smem:$0x3FB0]  }
0x2e: {  	s3 =	simm.s32 @!p0 $0x1082;
	s9 =	sld [smem:$0x3FB1]  }
0x2f: {  	lr =	sadd.s32 s0, s3;
	s0 =	sld [smem:$0x3FA8]  }
0x30: {  	s3 =	sld [smem:$0x3FAB]  }
0x31: {  	[smem:$0x3FB4] =	sst s10  }
0x32: {  	s10 =	sld [smem:$0x3FB2];
	_ =	sdelay $0x3  }
0x33: {  	p0 =	seq.s32 s10, $0x1;
	s10 =	sld [smem:$0x3FB4];
	_ =	sdelay $0x3  }
0x34: {  	[smem:$0x3FB4] =	sst s10  }
0x35: {  	s10 =	sld [smem:$0x3FB3];
	_ =	sdelay $0x3  }
0x36: {  	p1 =	seq.s32 s10, $0x1;
	s10 =	sld [smem:$0x3FB4];
	_ =	sdelay $0x3  }
0x37: {  	[smem:$0x3FB4] =	sst s10  }
0x38: {  	s10 =	sld [smem:$0x3FB5]  }
0x39: {  	_ = 	snop;
	(pc) =	sbr.ind lr, $3  }
0x3a: {  	_ = 	snop  }
0x3b: {  	_ = 	snop  }
0x3c: {  	p2 =	seq.s32 s10, $0x1;
	s10 =	sld [smem:$0x3FB4]  }
0x3d: {  	_ =	shalt  }
0x3e: {  	_ =	shalt  }
0x3f: {  	_ =	shalt  }
0x40: {  	_ =	shalt  }
0x41: {  	_ =	shalt  }
0x42: {  	_ =	shalt  }
0x43: {  	_ =	shalt  }
0x44: {  	_ =	shalt  }
0x45: {  	_ =	shalt  }
0x46: {  	_ =	shalt  }
0x47: {  	_ =	shalt  }
0x48: {  	_ =	shalt  }
0x49: {  	_ =	shalt  }
0x4a: {  	_ =	shalt  }
0x4b: {  	_ =	shalt  }
0x4c: {  	_ =	shalt  }
0x4d: {  	_ =	shalt  }
0x4e: {  	_ =	shalt  }
0x4f: {  	_ =	shalt  }
0x50: {  	_ =	shalt  }
0x51: {  	_ =	shalt  }
0x52: {  	_ =	shalt  }
0x53: {  	_ =	shalt  }
0x54: {  	_ =	shalt  }
0x55: {  	_ =	shalt  }
0x56: {  	_ =	shalt  }
0x57: {  	_ =	shalt  }
0x58: {  	_ =	shalt  }
0x59: {  	_ =	shalt  }
0x5a: {  	_ =	shalt  }
0x5b: {  	_ =	shalt  }
0x5c: {  	_ =	shalt  }
0x5d: {  	_ =	shalt  }
0x5e: {  	_ =	shalt  }
0x5f: {  	_ =	shalt  }
0x60: {  	_ =	shalt  }
0x61: {  	_ =	shalt  }
0x62: {  	_ =	shalt  }
0x63: {  	_ =	shalt  }
0x64: {  	_ =	shalt  }
0x65: {  	_ =	shalt  }
0x66: {  	_ =	shalt  }
0x67: {  	_ =	shalt  }
0x68: {  	_ =	shalt  }
0x69: {  	_ =	shalt  }
0x6a: {  	_ =	shalt  }
0x6b: {  	_ =	shalt  }
0x6c: {  	_ =	shalt  }
0x6d: {  	_ =	shalt  }
0x6e: {  	_ =	shalt  }
0x6f: {  	_ =	shalt  }
0x70: {  	_ =	shalt  }
0x71: {  	_ =	shalt  }
0x72: {  	_ =	shalt  }
0x73: {  	_ =	shalt  }
0x74: {  	_ =	shalt  }
0x75: {  	_ =	shalt  }
0x76: {  	_ =	shalt  }
0x77: {  	_ =	shalt  }
0x78: {  	_ =	shalt  }
0x79: {  	_ =	shalt  }
0x7a: {  	_ =	shalt  }
0x7b: {  	_ =	shalt  }
0x7c: {  	_ =	shalt  }
0x7d: {  	_ =	shalt  }
0x7e: {  	_ =	shalt  }
0x7f: {  	_ =	shalt  }
0x80: {  	_ =	shalt  }
0x81: {  	_ =	shalt  }
0x82: {  	_ =	shalt  }
0x83: {  	_ =	shalt  }
0x84: {  	_ =	shalt  }
0x85: {  	_ =	shalt  }
0x86: {  	_ =	shalt  }
0x87: {  	_ =	shalt  }
.Lfunc_end0:
.L_simem_size_0:
called_computation.1_lowered:
.L_overlay_start_0:
0x88: {  	s2 =	sld [smem:$0x3FD9]  }
0x89: {  	s3 =	sld [smem:$0x3FFE];
	_ =	sdelay $0x1  }
0x8a: {  	s1 =	srdreg.scid  }
0x8b: {  	s0 =	sand.u32 $0x1, s1  }
0x8c: {  	s14 =	sshll.u32 s0, $0xA;
	s2 =	sadd.s32 s3, s2  }
0x8d: {  	s2 =	sadd.s32 s2, s14  }
0x8e: {  	[smem:$0x3FC0] =	sst s2  }
0x8f: {  	_ = 	snop  }
0x90: {  	s2 =	sld [smem:$0x3FD0];
	_ =	sdelay $0x2  }
0x91: {  	s4 =	simm.s32 $0xA;
	s5 =	simm.s32 $0x10;
	s15 =	sld [smem:$0x3FC9]  }
0x92: {  	[smem:s5], [sflag:s4] =	dma.local [hbm:s2], $0x1  }
0x93: {  	_ =	swait.eq [sflag:s4], $0x1  }
0x94: {  	[sflag:s4] =	ssyncset.done $0x0  }
0x95: {  	[sflag:s4] =	ssyncadd.s32 $0xFFFFFFFF  }
0x96: {  	s16 =	sld [smem:$0x10];
	(tm) =	ssettm $0x1  }
0x97: {  	s17 =	sld [smem:$0x3FFB];
	_ =	sdelay $0x3  }
0x98: {  	_ =	strace s17  }
0x99: {  	s4 =	sld [smem:$0x3FFC];
	_ =	sdelay $0x3  }
0x9a: {  	_ =	strace s4  }
0x9b: {  	s4 =	sld [smem:$0x3FFD];
	_ =	sdelay $0x3  }
0x9c: {  	_ =	strace s4  }
0x9d: {  	_ =	strace $0x8FFFFFFF  }
0x9e: {  	s18 =	sld [smem:$0x3FDB];
	_ =	sdelay $0x1  }
0x9f: {  	s19 =	simm.s32 $_scs_section_size  }
0xa0: {  	s6 =	simm.s32 $_size__tile_overlayer_lowered;
	s7 =	simm.s32 $_tile_overlayer_lowered  }
0xa1: {  	s22 =	simm.s32 $0x1BFF;
	s21 =	sshll.u32 s7, $0x1;
	s4 =	sadd.s32 s19, s18  }
0xa2: {  	s8 =	simm.s32 $0x0;
	s20 =	sshll.u32 s6, $0x1;
	s6 =	sadd.s32 s21, s4  }
0xa3: {  	[timem:s8], [sflag:s22] =	dma.local [hbm:s6], s20  }
0xa4: {  	_ =	swait.ge [sflag:s22], s20  }
0xa5: {  	s5 =	ssub.s32 $0x0, s20;
	[sflag:s22] =	ssyncset.done $0x0  }
0xa6: {  	[sflag:s22] =	ssyncadd.s32 s5;
	_ =	sdelay $0x1  }
0xa7: {  	s23 =	simm.s32 $0x1B8B  }
0xa8: {  	_ =	swait.ge [sflag:s23], $0x1  }
0xa9: {  	[sflag:s23] =	ssyncset.done $0x0  }
0xaa: {  	s25 =	simm.s32 $0x1B8E;
	s24 =	sld [smem:$0x3FFE];
	[sflag:s23] =	ssyncadd.s32 $0xFFFFFFFF  }
0xab: {  	s26 =	simm.s32 $execute0_lowered;
	[smem:$0x3FD2] =	sst s25  }
0xac: {  	s6 =	sshll.u32 s26, $0x1;
	_ =	strace $0x80000049;
	[dreg:$0x1] =	wrdreg $0xFFFFFFFF  }
0xad: {  	s28 =	simm.s32 $_size_execute0_lowered;
	s4 =	sadd.s32 s4, s6;
	[dreg:$0x0] =	wrdreg $0x0  }
0xae: {  	s6 =	sshll.u32 s28, $0x1;
	[dreg:$0x2] =	wrdreg s4  }
0xaf: {  	[dreg:$0x3] =	wrdreg s6  }
0xb0: {  	[dreg:$0x4] =	wrdreg $0xC0  }
0xb1: {  	_ =	task [dreg:s8], $0x5FFFF  }
0xb2: {  	[dreg:$0x1] =	wrdreg $0xFFFFFFFF  }
0xb3: {  	[dreg:$0x0] =	wrdreg $0x60  }
0xb4: {  	[dreg:$0x2] =	wrdreg s15  }
0xb5: {  	[dreg:$0x3] =	wrdreg s24  }
0xb6: {  	[dreg:$0x4] =	wrdreg s16  }
0xb7: {  	[dreg:$0x5] =	wrdreg $0x9  }
0xb8: {  	_ =	task.clear_ibuf [dreg:s8], $0x6FFFF;
	_ =	strace $0x90000049  }
0xb9: {  	s29 =	simm.s32 $0x9;
	_ =	strace $0x8000004B  }
0xba: {  	_ =	swait.ge [sflag:s29], $0x1  }
0xbb: {  	[sflag:s29] =	ssyncadd.s32 $0xFFFFFFFF  }
0xbc: {  	_ =	strace $0x9000004B  }
0xbd: {  	_ =	sfence  }
0xbe: {  	s30 =	sld [smem:$0x0];
	_ =	sdelay $0x2  }
0xbf: {  	s31 =	sshll.u32 s1, $0xD;
	s1 =	sshrl.u32 s1, $0x2  }
0xc0: {  	s3 =	sand.u32 $0x4000, s31;
	s1 =	sadd.s32 s1, s30  }
0xc1: {  	s0 =	sor.u32 s3, s0;
	s1 =	sshll.u32 s1, $0x11  }
0xc2: {  	s0 =	sor.u32 s1, s0  }
0xc3: {  	s0 =	sadd.s32 $0x8F2B, s0  }
0xc4: {  	[sflag:s0] =	ssyncadd.remote.s32 $0x1  }
0xc5: {  	_ =	sfence.sel $0xFFFF  }
0xc6: {  	[dreg:$0x0] =	wrdreg $0xFFFFFFFF;
	(pc) =	sbr.abs _section_cstart, $3  }
0xc7: {  	[dreg:$0x1] =	wrdreg $0xFFFFFFFF  }
0xc8: {  	_ =	task.clear_ibuf [dreg:s8], $0x2FFFF;
	_ =	strace $0x9FFFFFFF  }
0xc9: {  	(tm) =	ssettm $0x7FFFFFFF  }
tec
execute0_lowered:
.L_overlay_start_1:
0x0: {  	(tag) =	ssettag $0x1  }
0x1: {  	s0 =	rddreg [dreg:$0x0]  }
0x2: {  	s1 =	rddreg [dreg:$0x1]  }
0x3: {  	s4 =	rddreg [dreg:$0x2];
	s3 =	srdreg.scid  }
0x4: {  	s2 =	simm.s32 $0x0;
	s6 =	stileid.u32;
	s16 =	simm.s32 $0x11000  }
0x5: {  	s17 =	simm.s32 $0x11800;
	s18 =	simm.s32 $0x2;
	s5 =	sand.u32 $0x1, s3  }
0x6: {  	[smem:$0x7FF] =	sst s2;
	s6 =	sshll.u32 s6, $0x7;
	s3 =	sadd.s32 $0x400, s1  }
0x7: {  	s19 =	sadd.s32 $0x200, s1;
	s11 =	sadd.s32 $0x90400, s1;
	s13 =	sadd.s32 $0x98400, s1  }
0x8: {  	s10 =	sadd.s32 $0x600, s1;
	s7 =	sshll.u32 s5, $0x6;
	s5 =	ssub.s32 $0x2, s5  }
0x9: {  	_ =	strace $0x8000004A;
	s6 =	sor.u32 s7, s6;
	s9 =	sshrl.u32 s5, $0x1  }
0xa: {  	s7 =	simm.s32 $0xC000;
	s8 =	sshrl.u32 s6, $0x3;
	s5 =	ssub.s32 s5, s9  }
0xb: {  	s14 =	sor.u32 $0x20, s6;
	s6 =	sshll.u32 s6, $0x4;
	s9 =	sadd.s32 $0x500, s1  }
0xc: {  	s12 =	smul.u32 $0x300, s8;
	s21 =	sadd.s32 s1, s8;
	s15 =	sshrl.u32 s14, $0x3  }
0xd: {  	s8 =	sadd.s32 s19, s8;
	s23 =	sadd.s32 s11, s6;
	[dreg:$0x5] =	wrdreg s21  }
0xe: {  	s6 =	sadd.s32 s13, s6;
	s28 =	sshll.u32 s14, $0x4;
	[dreg:$0x6] =	wrdreg s8  }
0xf: {  	s31 =	smax.u32 s5, $0x1;
	s5 =	simm.s32 $0xB000;
	[dreg:$0x7] =	wrdreg s23  }
0x10: {  	s14 =	simm.s32 $0xE800;
	s22 =	smul.u32 $0x300, s15;
	[dreg:$0x8] =	wrdreg s6  }
0x11: {  	s25 =	sadd.s32 s1, s15;
	s26 =	sadd.s32 s19, s15;
	s29 =	sadd.s32 s11, s28  }
0x12: {  	[dreg:$0x10] =	wrdreg s31;
	s19 =	simm.s32 $0x3;
	s6 =	simm.s32 $0xB800  }
0x13: {  	s8 =	simm.s32 $0xC800;
	s11 =	simm.s32 $0xD000;
	[dreg:$0xb] =	wrdreg s25  }
0x14: {  	s21 =	simm.s32 $0xF800;
	s15 =	simm.s32 $0x10000;
	[dreg:$0xc] =	wrdreg s26  }
0x15: {  	s23 =	simm.s32 $0x1;
	s20 =	sadd.s32 s0, s12;
	[dreg:$0xd] =	wrdreg s29  }
0x16: {  	s24 =	sadd.s32 s4, s12;
	s12 =	simm.s32 $0xD800;
	[dreg:$0x4] =	wrdreg s20  }
0x17: {  	[dreg:$0x9] =	wrdreg s24;
	s0 =	sadd.s32 s0, s22;
	s30 =	sadd.s32 s4, s22  }
0x18: {  	v2 =	vlaneseq.u32;
	s4 =	simm.s32 $0xA800;
	s20 =	simm.s32 $0xF000;
	[dreg:$0xa] =	wrdreg s0  }
0x19: {  	vm0 =	vmmov $0xffff;
	v1 =	vshrl.u32 v2, $0x3;
	s22 =	simm.s32 $0x10800;
	s0 =	sadd.s32 s13, s28;
	[dreg:$0xf] =	wrdreg s30  }
0x1a: {  	v0 =	vand.u32 $0x7, v2;
	v2 =	vor.u32 $0x8, v2;
	v1 =	vmul.u32 $0x8, v1;
	s24 =	simm.s32 $0x0;
	s13 =	simm.s32 $0xE000;
	[dreg:$0xe] =	wrdreg s0  }
.LBB2_1:
0x1b: {  	s0 =	rddreg [dreg:$0x4]  }
0x1c: {  	[tilespmem:s2], [sflag:$0x3] =	stream.linear.gather [hbm4b:s0+s2], $0x6000, $0x38;
	[tilespmem:$0x14100] =	vst v63  }
0x1d: {  	_ =	swait.ge [sflag:s19], $0x6000  }
0x1e: {  	[sflag:s19] =	ssyncset.done $0x0  }
0x1f: {  	s1 =	simm.s32 $0x12000;
	s29 =	rddreg [dreg:$0x5];
	[sflag:s19] =	ssyncadd.s32 $0xFFFFA000  }
0x20: {  	[tilespmem:s1], [sflag:$0x3] =	stream.linear.gather [hbm4b:s29+s2], $0x20, $0x38;
	[tilespmem:$0x14100] =	vst v63  }
0x21: {  	_ =	swait.ge [sflag:s19], $0x20  }
0x22: {  	[sflag:s19] =	ssyncset.done $0x0  }
0x23: {  	s31 =	simm.s32 $0x12080;
	s30 =	rddreg [dreg:$0x6];
	[sflag:s19] =	ssyncadd.s32 $0xFFFFFFE0  }
0x24: {  	[tilespmem:s31], [sflag:$0x3] =	stream.linear.gather [hbm4b:s30+s2], $0x20, $0x38;
	[tilespmem:$0x14100] =	vst v63  }
0x25: {  	_ =	swait.ge [sflag:s19], $0x20  }
0x26: {  	[sflag:s19] =	ssyncset.done $0x0  }
0x27: {  	s26 =	simm.s32 $0x12100;
	s25 =	rddreg [dreg:$0x7];
	[sflag:s19] =	ssyncadd.s32 $0xFFFFFFE0  }
0x28: {  	[tilespmem:s26], [sflag:$0x3] =	stream.linear.gather [hbm4b:s25+s2], $0x1000, $0x38;
	[tilespmem:$0x14100] =	vst v63  }
0x29: {  	_ =	swait.ge [sflag:s19], $0x1000  }
0x2a: {  	[sflag:s19] =	ssyncset.done $0x0  }
0x2b: {  	s29 =	simm.s32 $0x13100;
	s28 =	rddreg [dreg:$0x8];
	[sflag:s19] =	ssyncadd.s32 $0xFFFFF000  }
0x2c: {  	[tilespmem:s29], [sflag:$0x3] =	stream.linear.gather [hbm4b:s28+s2], $0x1000, $0x38;
	[tilespmem:$0x14100] =	vst v63  }
0x2d: {  	_ =	swait.ge [sflag:s19], $0x1000  }
0x2e: {  	[sflag:s19] =	ssyncset.done $0x0  }
0x2f: {  	[sflag:s19] =	ssyncadd.s32 $0xFFFFF000  }
0x30: {  	v3 =	vld [tilespmem:$0x12000];
	_ =	sdelay $0x4  }
0x31: {  	v4 =	vshrl.u32 v3, $0x3  }
0x32: {  	v4 =	vmul.u32 $0x30, v4  }
0x33: {  	v3 =	vand.u32 $0x7, v3  }
0x34: {  	v3 =	vor.u32 v3, v4  }
0x35: {  	v4 =	vperm.xlane v3, v0;
	_ =	sdelay $0x1  }
0x36: {  	v4 =	vadd.s32 v1, v4;
	_ =	sdelay $0x3  }
0x37: {  	s30 =	simm.s32 $0x6000;
	v3 =	vperm.xlane v3, v2  }
0x38: {  	[tilespmem:s30], [sflag:$0x1] =	stream.indirect_vreg.gather [hbm4b:s3+s2], $0x80, v4, vm0, $0xb8;
	[tilespmem:$0x14100] =	vst v63  }
0x39: {  	s31 =	simm.s32 $0x6800;
	v3 =	vadd.s32 v1, v3  }
0x3a: {  	[tilespmem:s31], [sflag:$0x1] =	stream.indirect_vreg.gather [hbm4b:s9+s2], $0x80, v4, vm0, $0xb8;
	[tilespmem:$0x14100] =	vst v63  }
0x3b: {  	s1 =	simm.s32 $0x7000  }
0x3c: {  	[tilespmem:s1], [sflag:$0x1] =	stream.indirect_vreg.gather [hbm4b:s10+s2], $0x80, v4, vm0, $0xb8;
	[tilespmem:$0x14100] =	vst v63  }
0x3d: {  	s25 =	simm.s32 $0x7800  }
0x3e: {  	[tilespmem:s25], [sflag:$0x1] =	stream.indirect_vreg.gather [hbm4b:s3+s2], $0x80, v3, vm0, $0xb8;
	[tilespmem:$0x14100] =	vst v63  }
0x3f: {  	s26 =	simm.s32 $0x8000  }
0x40: {  	[tilespmem:s26], [sflag:$0x1] =	stream.indirect_vreg.gather [hbm4b:s9+s2], $0x80, v3, vm0, $0xb8;
	[tilespmem:$0x14100] =	vst v63  }
0x41: {  	s28 =	simm.s32 $0x8800  }
0x42: {  	[tilespmem:s28], [sflag:$0x1] =	stream.indirect_vreg.gather [hbm4b:s10+s2], $0x80, v3, vm0, $0xb8;
	[tilespmem:$0x14100] =	vst v63  }
0x43: {  	v3 =	vld [tilespmem:$0x12010];
	_ =	sdelay $0x4  }
0x44: {  	v61 =	vshrl.u32 v3, $0x3  }
0x45: {  	v4 =	vmul.u32 $0x30, v61  }
0x46: {  	v3 =	vand.u32 $0x7, v3  }
0x47: {  	v3 =	vor.u32 v3, v4  }
0x48: {  	v4 =	vperm.xlane v3, v0;
	_ =	sdelay $0x1  }
0x49: {  	v4 =	vadd.s32 v1, v4;
	_ =	sdelay $0x3  }
0x4a: {  	s29 =	simm.s32 $0x9000;
	v3 =	vperm.xlane v3, v2  }
0x4b: {  	[tilespmem:s29], [sflag:$0x1] =	stream.indirect_vreg.gather [hbm4b:s3+s2], $0x80, v4, vm0, $0xb8;
	[tilespmem:$0x14100] =	vst v63  }
0x4c: {  	s30 =	simm.s32 $0x9800;
	v3 =	vadd.s32 v1, v3  }
0x4d: {  	[tilespmem:s30], [sflag:$0x1] =	stream.indirect_vreg.gather [hbm4b:s9+s2], $0x80, v4, vm0, $0xb8;
	[tilespmem:$0x14100] =	vst v63  }
0x4e: {  	s31 =	simm.s32 $0xA000  }
0x4f: {  	[tilespmem:s31], [sflag:$0x1] =	stream.indirect_vreg.gather [hbm4b:s10+s2], $0x80, v4, vm0, $0xb8;
	[tilespmem:$0x14100] =	vst v63  }
0x50: {  	_ = 	snop  }
0x51: {  	[tilespmem:s4], [sflag:$0x1] =	stream.indirect_vreg.gather [hbm4b:s3+s2], $0x80, v3, vm0, $0xb8;
	[tilespmem:$0x14100] =	vst v63  }
0x52: {  	_ = 	snop  }
0x53: {  	[tilespmem:s5], [sflag:$0x1] =	stream.indirect_vreg.gather [hbm4b:s9+s2], $0x80, v3, vm0, $0xb8;
	[tilespmem:$0x14100] =	vst v63  }
0x54: {  	_ = 	snop  }
0x55: {  	[tilespmem:s6], [sflag:$0x1] =	stream.indirect_vreg.gather [hbm4b:s10+s2], $0x80, v3, vm0, $0xb8;
	[tilespmem:$0x14100] =	vst v63  }
0x56: {  	v3 =	vld [tilespmem:$0x12080];
	_ =	sdelay $0x4  }
0x57: {  	v62 =	vshrl.u32 v3, $0x3  }
0x58: {  	v4 =	vmul.u32 $0x30, v62  }
0x59: {  	v3 =	vand.u32 $0x7, v3  }
0x5a: {  	v3 =	vor.u32 v3, v4  }
0x5b: {  	v4 =	vperm.xlane v3, v0;
	_ =	sdelay $0x1  }
0x5c: {  	v4 =	vadd.s32 v1, v4;
	_ =	sdelay $0x3  }
0x5d: {  	v3 =	vperm.xlane v3, v2  }
0x5e: {  	[tilespmem:s7], [sflag:$0x2] =	stream.indirect_vreg.gather [hbm4b:s3+s2], $0x80, v4, vm0, $0xb8;
	[tilespmem:$0x14100] =	vst v63  }
0x5f: {  	v3 =	vadd.s32 v1, v3  }
0x60: {  	[tilespmem:s8], [sflag:$0x2] =	stream.indirect_vreg.gather [hbm4b:s9+s2], $0x80, v4, vm0, $0xb8;
	[tilespmem:$0x14100] =	vst v63  }
0x61: {  	_ = 	snop  }
0x62: {  	[tilespmem:s11], [sflag:$0x2] =	stream.indirect_vreg.gather [hbm4b:s10+s2], $0x80, v4, vm0, $0xb8;
	[tilespmem:$0x14100] =	vst v63  }
0x63: {  	_ = 	snop  }
0x64: {  	[tilespmem:s12], [sflag:$0x2] =	stream.indirect_vreg.gather [hbm4b:s3+s2], $0x80, v3, vm0, $0xb8;
	[tilespmem:$0x14100] =	vst v63  }
0x65: {  	_ = 	snop  }
0x66: {  	[tilespmem:s13], [sflag:$0x2] =	stream.indirect_vreg.gather [hbm4b:s9+s2], $0x80, v3, vm0, $0xb8;
	[tilespmem:$0x14100] =	vst v63  }
0x67: {  	_ = 	snop  }
0x68: {  	[tilespmem:s14], [sflag:$0x2] =	stream.indirect_vreg.gather [hbm4b:s10+s2], $0x80, v3, vm0, $0xb8;
	[tilespmem:$0x14100] =	vst v63  }
0x69: {  	v3 =	vld [tilespmem:$0x12090];
	_ =	sdelay $0x4  }
0x6a: {  	v63 =	vshrl.u32 v3, $0x3  }
0x6b: {  	v4 =	vmul.u32 $0x30, v63  }
0x6c: {  	v3 =	vand.u32 $0x7, v3  }
0x6d: {  	v3 =	vor.u32 v3, v4  }
0x6e: {  	v4 =	vperm.xlane v3, v0;
	_ =	sdelay $0x1  }
0x6f: {  	v4 =	vadd.s32 v1, v4;
	_ =	sdelay $0x3  }
0x70: {  	v3 =	vperm.xlane v3, v2  }
0x71: {  	[tilespmem:s20], [sflag:$0x2] =	stream.indirect_vreg.gather [hbm4b:s3+s2], $0x80, v4, vm0, $0xb8;
	[tilespmem:$0x14100] =	vst v63  }
0x72: {  	v3 =	vadd.s32 v1, v3  }
0x73: {  	[tilespmem:s21], [sflag:$0x2] =	stream.indirect_vreg.gather [hbm4b:s9+s2], $0x80, v4, vm0, $0xb8;
	[tilespmem:$0x14100] =	vst v63  }
0x74: {  	_ = 	snop  }
0x75: {  	[tilespmem:s15], [sflag:$0x2] =	stream.indirect_vreg.gather [hbm4b:s10+s2], $0x80, v4, vm0, $0xb8;
	[tilespmem:$0x14100] =	vst v63  }
0x76: {  	_ = 	snop  }
0x77: {  	[tilespmem:s22], [sflag:$0x2] =	stream.indirect_vreg.gather [hbm4b:s3+s2], $0x80, v3, vm0, $0xb8;
	[tilespmem:$0x14100] =	vst v63  }
0x78: {  	_ = 	snop  }
0x79: {  	[tilespmem:s16], [sflag:$0x2] =	stream.indirect_vreg.gather [hbm4b:s9+s2], $0x80, v3, vm0, $0xb8;
	[tilespmem:$0x14100] =	vst v63  }
0x7a: {  	_ = 	snop  }
0x7b: {  	[tilespmem:s17], [sflag:$0x2] =	stream.indirect_vreg.gather [hbm4b:s10+s2], $0x80, v3, vm0, $0xb8;
	[tilespmem:$0x14100] =	vst v63  }
0x7c: {  	_ =	swait.ge [sflag:s23], $0x6000  }
0x7d: {  	[sflag:s23] =	ssyncset.done $0x0  }
0x7e: {  	[sflag:s23] =	ssyncadd.s32 $0xFFFFA000  }
0x7f: {  	_ =	swait.ge [sflag:s18], $0x6000  }
0x80: {  	[sflag:s18] =	ssyncset.done $0x0  }
0x81: {  	s25 =	simm.s32 $0x0;
	[sflag:s18] =	ssyncadd.s32 $0xFFFFA000  }
.LBB2_2:
0x82: {  	s0 =	sshrl.u32 s25, $0x3  }
0x83: {  	s1 =	sshll.u32 s25, $0x7;
	s0 =	smul.u32 $0x1800, s0  }
0x84: {  	s28 =	simm.s32 $0x0;
	s26 =	sand.u32 $0x380, s1  }
0x85: {  	s26 =	sor.u32 s26, s0;
	s0 =	sand.u32 $0x1C00, s28  }
0x86: {  	v3 =	vld [tilespmem:s1+$0x12100];
	s28 =	sand.u32 $0x70, s28;
	s0 =	sadd.s32 s26, s0  }
0x87: {  	v4 =	vld [tilespmem:s1+$0x13100];
	s28 =	sor.u32 s28, s0  }
0x88: {  	v5 =	vld [tilespmem:s28+$0x6000]  }
0x89: {  	v6 =	vld [tilespmem:s28+$0xC000]  }
0x8a: {  	v7 =	vld [tilespmem:s28+$0x0];
	_ =	sdelay $0x2  }
0x8b: {  	v5 =	vmul.f32 v5, v3  }
0x8c: {  	s29 =	simm.s32 $0x80  }
0x8d: {  	s31 =	simm.s32 $0x10;
	s30 =	simm.s32 $0x20;
	s0 =	sand.u32 $0x1C00, s29;
	v6 =	vmul.f32 v6, v4;
	v5 =	vadd.f32 v5, v7  }
.LBB2_3:
0x8e: {  	p0 =	sne.s32 s30, $0x2F0;
	s1 =	sand.u32 $0x70, s31;
	s0 =	sadd.s32 s26, s0  }
0x8f: {  	s31 =	smov.u32 s30;
	s0 =	sor.u32 s1, s0;
	v5 =	vadd.f32 v6, v5  }
0x90: {  	v6 =	vld [tilespmem:s0+$0x6000]  }
0x91: {  	v7 =	vld [tilespmem:s0+$0xC000];
	[tilespmem:s28+$0x0] =	vst v5;
	s28 =	smov.u32 s0  }
0x92: {  	v5 =	vld [tilespmem:s28+$0x0]  }
.Ltmp0:
0x93: {  	(pc) =	sbr.rel @p0 .LBB2_3-.Ltmp0, $4  }
0x94: {  	_ = 	snop  }
0x95: {  	v6 =	vmul.f32 v6, v3  }
0x96: {  	s29 =	sadd.s32 $0x80, s29  }
0x97: {  	s30 =	sadd.s32 $0x10, s30;
	s0 =	sand.u32 $0x1C00, s29;
	v5 =	vadd.f32 v6, v5;
	v6 =	vmul.f32 v7, v4  }
0x98: {  	s1 =	sand.u32 $0x70, s31;
	s0 =	sadd.s32 s26, s0  }
0x99: {  	s0 =	sor.u32 s1, s0;
	v5 =	vadd.f32 v6, v5  }
0x9a: {  	v63 =	vld [tilespmem:s0+$0x6000]  }
0x9b: {  	v7 =	vld [tilespmem:s0+$0xC000];
	[tilespmem:s28+$0x0] =	vst v5  }
0x9c: {  	v5 =	vld [tilespmem:s0+$0x0];
	_ =	sdelay $0x2  }
0x9d: {  	s25 =	sadd.s32 $0x1, s25;
	v3 =	vmul.f32 v63, v3  }
0x9e: {  	p0 =	sne.s32 s25, $0x20  }
.Ltmp1:
0x9f: {  	v4 =	vmul.f32 v7, v4;
	v3 =	vadd.f32 v3, v5;
	(pc) =	sbr.rel @p0 .LBB2_2-.Ltmp1, $3  }
0xa0: {  	_ = 	snop  }
0xa1: {  	v3 =	vadd.f32 v4, v3;
	_ =	sdelay $0x1  }
0xa2: {  	[tilespmem:s0+$0x0] =	vst v3  }
0xa3: {  	s25 =	simm.s32 $0x0;
	s0 =	rddreg [dreg:$0x9]  }
0xa4: {  	[hbm4b:s0+s25] =	stream.linear.scatter [tilespmem:s25], [sflag:$0x3], $0x6000, $0x38;
	[tilespmem:$0x14100] =	vst v63  }
0xa5: {  	_ =	swait.ge [sflag:s19], $0x6000  }
0xa6: {  	[sflag:s19] =	ssyncset.done $0x0  }
0xa7: {  	s1 =	rddreg [dreg:$0xa];
	[sflag:s19] =	ssyncadd.s32 $0xFFFFA000  }
0xa8: {  	[tilespmem:s25], [sflag:$0x3] =	stream.linear.gather [hbm4b:s1+s25], $0x6000, $0x38;
	[tilespmem:$0x14100] =	vst v63  }
0xa9: {  	_ =	swait.ge [sflag:s19], $0x6000  }
0xaa: {  	[sflag:s19] =	ssyncset.done $0x0  }
0xab: {  	s1 =	simm.s32 $0x12000;
	s26 =	rddreg [dreg:$0xb];
	[sflag:s19] =	ssyncadd.s32 $0xFFFFA000  }
0xac: {  	[tilespmem:s1], [sflag:$0x3] =	stream.linear.gather [hbm4b:s26+s25], $0x20, $0x38;
	[tilespmem:$0x14100] =	vst v63  }
0xad: {  	_ =	swait.ge [sflag:s19], $0x20  }
0xae: {  	[sflag:s19] =	ssyncset.done $0x0  }
0xaf: {  	s29 =	simm.s32 $0x12080;
	s28 =	rddreg [dreg:$0xc];
	[sflag:s19] =	ssyncadd.s32 $0xFFFFFFE0  }
0xb0: {  	[tilespmem:s29], [sflag:$0x3] =	stream.linear.gather [hbm4b:s28+s25], $0x20, $0x38;
	[tilespmem:$0x14100] =	vst v63  }
0xb1: {  	_ =	swait.ge [sflag:s19], $0x20  }
0xb2: {  	[sflag:s19] =	ssyncset.done $0x0  }
0xb3: {  	s31 =	simm.s32 $0x12100;
	s30 =	rddreg [dreg:$0xd];
	[sflag:s19] =	ssyncadd.s32 $0xFFFFFFE0  }
0xb4: {  	[tilespmem:s31], [sflag:$0x3] =	stream.linear.gather [hbm4b:s30+s25], $0x1000, $0x38;
	[tilespmem:$0x14100] =	vst v63  }
0xb5: {  	_ =	swait.ge [sflag:s19], $0x1000  }
0xb6: {  	[sflag:s19] =	ssyncset.done $0x0  }
0xb7: {  	s28 =	simm.s32 $0x13100;
	s26 =	rddreg [dreg:$0xe];
	[sflag:s19] =	ssyncadd.s32 $0xFFFFF000  }
0xb8: {  	[tilespmem:s28], [sflag:$0x3] =	stream.linear.gather [hbm4b:s26+s25], $0x1000, $0x38;
	[tilespmem:$0x14100] =	vst v63  }
0xb9: {  	_ =	swait.ge [sflag:s19], $0x1000  }
0xba: {  	[sflag:s19] =	ssyncset.done $0x0  }
0xbb: {  	[sflag:s19] =	ssyncadd.s32 $0xFFFFF000  }
0xbc: {  	v3 =	vld [tilespmem:$0x12000];
	_ =	sdelay $0x4  }
0xbd: {  	v4 =	vshrl.u32 v3, $0x3  }
0xbe: {  	v4 =	vmul.u32 $0x30, v4  }
0xbf: {  	v3 =	vand.u32 $0x7, v3  }
0xc0: {  	v3 =	vor.u32 v3, v4  }
0xc1: {  	v4 =	vperm.xlane v3, v0;
	_ =	sdelay $0x1  }
0xc2: {  	v4 =	vadd.s32 v1, v4;
	_ =	sdelay $0x3  }
0xc3: {  	s29 =	simm.s32 $0x6000;
	v3 =	vperm.xlane v3, v2  }
0xc4: {  	[tilespmem:s29], [sflag:$0x1] =	stream.indirect_vreg.gather [hbm4b:s3+s25], $0x80, v4, vm0, $0xb8;
	[tilespmem:$0x14100] =	vst v63  }
0xc5: {  	s30 =	simm.s32 $0x6800;
	v3 =	vadd.s32 v1, v3  }
0xc6: {  	[tilespmem:s30], [sflag:$0x1] =	stream.indirect_vreg.gather [hbm4b:s9+s25], $0x80, v4, vm0, $0xb8;
	[tilespmem:$0x14100] =	vst v63  }
0xc7: {  	s31 =	simm.s32 $0x7000  }
0xc8: {  	[tilespmem:s31], [sflag:$0x1] =	stream.indirect_vreg.gather [hbm4b:s10+s25], $0x80, v4, vm0, $0xb8;
	[tilespmem:$0x14100] =	vst v63  }
0xc9: {  	s1 =	simm.s32 $0x7800  }
0xca: {  	[tilespmem:s1], [sflag:$0x1] =	stream.indirect_vreg.gather [hbm4b:s3+s25], $0x80, v3, vm0, $0xb8;
	[tilespmem:$0x14100] =	vst v63  }
0xcb: {  	s26 =	simm.s32 $0x8000  }
0xcc: {  	[tilespmem:s26], [sflag:$0x1] =	stream.indirect_vreg.gather [hbm4b:s9+s25], $0x80, v3, vm0, $0xb8;
	[tilespmem:$0x14100] =	vst v63  }
0xcd: {  	s28 =	simm.s32 $0x8800  }
0xce: {  	[tilespmem:s28], [sflag:$0x1] =	stream.indirect_vreg.gather [hbm4b:s10+s25], $0x80, v3, vm0, $0xb8;
	[tilespmem:$0x14100] =	vst v63  }
0xcf: {  	v3 =	vld [tilespmem:$0x12010];
	_ =	sdelay $0x4  }
0xd0: {  	v61 =	vshrl.u32 v3, $0x3  }
0xd1: {  	v4 =	vmul.u32 $0x30, v61  }
0xd2: {  	v3 =	vand.u32 $0x7, v3  }
0xd3: {  	v3 =	vor.u32 v3, v4  }
0xd4: {  	v4 =	vperm.xlane v3, v0;
	_ =	sdelay $0x1  }
0xd5: {  	v4 =	vadd.s32 v1, v4;
	_ =	sdelay $0x3  }
0xd6: {  	s29 =	simm.s32 $0x9000;
	v3 =	vperm.xlane v3, v2  }
0xd7: {  	[tilespmem:s29], [sflag:$0x1] =	stream.indirect_vreg.gather [hbm4b:s3+s25], $0x80, v4, vm0, $0xb8;
	[tilespmem:$0x14100] =	vst v63  }
0xd8: {  	s30 =	simm.s32 $0x9800;
	v3 =	vadd.s32 v1, v3  }
0xd9: {  	[tilespmem:s30], [sflag:$0x1] =	stream.indirect_vreg.gather [hbm4b:s9+s25], $0x80, v4, vm0, $0xb8;
	[tilespmem:$0x14100] =	vst v63  }
0xda: {  	s31 =	simm.s32 $0xA000  }
0xdb: {  	[tilespmem:s31], [sflag:$0x1] =	stream.indirect_vreg.gather [hbm4b:s10+s25], $0x80, v4, vm0, $0xb8;
	[tilespmem:$0x14100] =	vst v63  }
0xdc: {  	_ = 	snop  }
0xdd: {  	[tilespmem:s4], [sflag:$0x1] =	stream.indirect_vreg.gather [hbm4b:s3+s25], $0x80, v3, vm0, $0xb8;
	[tilespmem:$0x14100] =	vst v63  }
0xde: {  	_ = 	snop  }
0xdf: {  	[tilespmem:s5], [sflag:$0x1] =	stream.indirect_vreg.gather [hbm4b:s9+s25], $0x80, v3, vm0, $0xb8;
	[tilespmem:$0x14100] =	vst v63  }
0xe0: {  	_ = 	snop  }
0xe1: {  	[tilespmem:s6], [sflag:$0x1] =	stream.indirect_vreg.gather [hbm4b:s10+s25], $0x80, v3, vm0, $0xb8;
	[tilespmem:$0x14100] =	vst v63  }
0xe2: {  	v3 =	vld [tilespmem:$0x12080];
	_ =	sdelay $0x4  }
0xe3: {  	v62 =	vshrl.u32 v3, $0x3  }
0xe4: {  	v4 =	vmul.u32 $0x30, v62  }
0xe5: {  	v3 =	vand.u32 $0x7, v3  }
0xe6: {  	v3 =	vor.u32 v3, v4  }
0xe7: {  	v4 =	vperm.xlane v3, v0;
	_ =	sdelay $0x1  }
0xe8: {  	v4 =	vadd.s32 v1, v4;
	_ =	sdelay $0x3  }
0xe9: {  	v3 =	vperm.xlane v3, v2  }
0xea: {  	[tilespmem:s7], [sflag:$0x2] =	stream.indirect_vreg.gather [hbm4b:s3+s25], $0x80, v4, vm0, $0xb8;
	[tilespmem:$0x14100] =	vst v63  }
0xeb: {  	v3 =	vadd.s32 v1, v3  }
0xec: {  	[tilespmem:s8], [sflag:$0x2] =	stream.indirect_vreg.gather [hbm4b:s9+s25], $0x80, v4, vm0, $0xb8;
	[tilespmem:$0x14100] =	vst v63  }
0xed: {  	_ = 	snop  }
0xee: {  	[tilespmem:s11], [sflag:$0x2] =	stream.indirect_vreg.gather [hbm4b:s10+s25], $0x80, v4, vm0, $0xb8;
	[tilespmem:$0x14100] =	vst v63  }
0xef: {  	_ = 	snop  }
0xf0: {  	[tilespmem:s12], [sflag:$0x2] =	stream.indirect_vreg.gather [hbm4b:s3+s25], $0x80, v3, vm0, $0xb8;
	[tilespmem:$0x14100] =	vst v63  }
0xf1: {  	_ = 	snop  }
0xf2: {  	[tilespmem:s13], [sflag:$0x2] =	stream.indirect_vreg.gather [hbm4b:s9+s25], $0x80, v3, vm0, $0xb8;
	[tilespmem:$0x14100] =	vst v63  }
0xf3: {  	_ = 	snop  }
0xf4: {  	[tilespmem:s14], [sflag:$0x2] =	stream.indirect_vreg.gather [hbm4b:s10+s25], $0x80, v3, vm0, $0xb8;
	[tilespmem:$0x14100] =	vst v63  }
0xf5: {  	v3 =	vld [tilespmem:$0x12090];
	_ =	sdelay $0x4  }
0xf6: {  	v63 =	vshrl.u32 v3, $0x3  }
0xf7: {  	v4 =	vmul.u32 $0x30, v63  }
0xf8: {  	v3 =	vand.u32 $0x7, v3  }
0xf9: {  	v3 =	vor.u32 v3, v4  }
0xfa: {  	v4 =	vperm.xlane v3, v0;
	_ =	sdelay $0x1  }
0xfb: {  	v4 =	vadd.s32 v1, v4;
	_ =	sdelay $0x3  }
0xfc: {  	v3 =	vperm.xlane v3, v2  }
0xfd: {  	[tilespmem:s20], [sflag:$0x2] =	stream.indirect_vreg.gather [hbm4b:s3+s25], $0x80, v4, vm0, $0xb8;
	[tilespmem:$0x14100] =	vst v63  }
0xfe: {  	v3 =	vadd.s32 v1, v3  }
0xff: {  	[tilespmem:s21], [sflag:$0x2] =	stream.indirect_vreg.gather [hbm4b:s9+s25], $0x80, v4, vm0, $0xb8;
	[tilespmem:$0x14100] =	vst v63  }
0x100: {  	_ = 	snop  }
0x101: {  	[tilespmem:s15], [sflag:$0x2] =	stream.indirect_vreg.gather [hbm4b:s10+s25], $0x80, v4, vm0, $0xb8;
	[tilespmem:$0x14100] =	vst v63  }
0x102: {  	_ = 	snop  }
0x103: {  	[tilespmem:s22], [sflag:$0x2] =	stream.indirect_vreg.gather [hbm4b:s3+s25], $0x80, v3, vm0, $0xb8;
	[tilespmem:$0x14100] =	vst v63  }
0x104: {  	_ = 	snop  }
0x105: {  	[tilespmem:s16], [sflag:$0x2] =	stream.indirect_vreg.gather [hbm4b:s9+s25], $0x80, v3, vm0, $0xb8;
	[tilespmem:$0x14100] =	vst v63  }
0x106: {  	_ = 	snop  }
0x107: {  	[tilespmem:s17], [sflag:$0x2] =	stream.indirect_vreg.gather [hbm4b:s10+s25], $0x80, v3, vm0, $0xb8;
	[tilespmem:$0x14100] =	vst v63  }
0x108: {  	_ =	swait.ge [sflag:s23], $0x6000  }
0x109: {  	[sflag:s23] =	ssyncset.done $0x0  }
0x10a: {  	[sflag:s23] =	ssyncadd.s32 $0xFFFFA000  }
0x10b: {  	_ =	swait.ge [sflag:s18], $0x6000  }
0x10c: {  	[sflag:s18] =	ssyncset.done $0x0  }
0x10d: {  	s26 =	simm.s32 $0x0;
	[sflag:s18] =	ssyncadd.s32 $0xFFFFA000  }
.LBB2_6:
0x10e: {  	s0 =	sshrl.u32 s26, $0x3  }
0x10f: {  	s1 =	sshll.u32 s26, $0x7;
	s0 =	smul.u32 $0x1800, s0  }
0x110: {  	s28 =	sand.u32 $0x380, s1  }
0x111: {  	s28 =	sor.u32 s28, s0;
	s0 =	sand.u32 $0x1C00, s25  }
0x112: {  	s29 =	sand.u32 $0x70, s25;
	v3 =	vld [tilespmem:s1+$0x12100];
	s0 =	sadd.s32 s28, s0  }
0x113: {  	v4 =	vld [tilespmem:s1+$0x13100];
	s29 =	sor.u32 s29, s0  }
0x114: {  	v5 =	vld [tilespmem:s29+$0x6000]  }
0x115: {  	v6 =	vld [tilespmem:s29+$0xC000]  }
0x116: {  	v7 =	vld [tilespmem:s29+$0x0];
	_ =	sdelay $0x2  }
0x117: {  	v5 =	vmul.f32 v5, v3  }
0x118: {  	s30 =	simm.s32 $0x80  }
0x119: {  	s31 =	simm.s32 $0x20;
	s1 =	sand.u32 $0x1C00, s30;
	s0 =	simm.s32 $0x10;
	v6 =	vmul.f32 v6, v4;
	v5 =	vadd.f32 v5, v7  }
.LBB2_7:
0x11a: {  	p0 =	sne.s32 s31, $0x2F0;
	s0 =	sand.u32 $0x70, s0;
	s1 =	sadd.s32 s28, s1  }
0x11b: {  	s1 =	sor.u32 s0, s1;
	v5 =	vadd.f32 v6, v5;
	s0 =	smov.u32 s31  }
0x11c: {  	v6 =	vld [tilespmem:s1+$0x6000]  }
0x11d: {  	v7 =	vld [tilespmem:s1+$0xC000];
	[tilespmem:s29+$0x0] =	vst v5;
	s29 =	smov.u32 s1  }
0x11e: {  	v5 =	vld [tilespmem:s29+$0x0]  }
.Ltmp2:
0x11f: {  	(pc) =	sbr.rel @p0 .LBB2_7-.Ltmp2, $4  }
0x120: {  	_ = 	snop  }
0x121: {  	v6 =	vmul.f32 v6, v3  }
0x122: {  	s30 =	sadd.s32 $0x80, s30  }
0x123: {  	s31 =	sadd.s32 $0x10, s31;
	s1 =	sand.u32 $0x1C00, s30;
	v5 =	vadd.f32 v6, v5;
	v6 =	vmul.f32 v7, v4  }
0x124: {  	s0 =	sand.u32 $0x70, s0;
	s1 =	sadd.s32 s28, s1  }
0x125: {  	s0 =	sor.u32 s0, s1;
	v5 =	vadd.f32 v6, v5  }
0x126: {  	v63 =	vld [tilespmem:s0+$0x6000]  }
0x127: {  	v7 =	vld [tilespmem:s0+$0xC000];
	[tilespmem:s29+$0x0] =	vst v5  }
0x128: {  	v5 =	vld [tilespmem:s0+$0x0];
	_ =	sdelay $0x2  }
0x129: {  	s26 =	sadd.s32 $0x1, s26;
	v3 =	vmul.f32 v63, v3  }
0x12a: {  	p0 =	sne.s32 s26, $0x20  }
.Ltmp3:
0x12b: {  	v4 =	vmul.f32 v7, v4;
	v3 =	vadd.f32 v3, v5;
	(pc) =	sbr.rel @p0 .LBB2_6-.Ltmp3, $3  }
0x12c: {  	_ = 	snop  }
0x12d: {  	v3 =	vadd.f32 v4, v3;
	_ =	sdelay $0x1  }
0x12e: {  	[tilespmem:s0+$0x0] =	vst v3  }
0x12f: {  	s0 =	rddreg [dreg:$0xf]  }
0x130: {  	[hbm4b:s0+s2] =	stream.linear.scatter [tilespmem:s2], [sflag:$0x3], $0x6000, $0x38;
	[tilespmem:$0x14100] =	vst v63  }
0x131: {  	_ =	swait.ge [sflag:s19], $0x6000  }
0x132: {  	s24 =	sadd.s32 $0x1, s24;
	s31 =	rddreg [dreg:$0x10]  }
0x133: {  	p0 =	sne.s32 s24, s31  }
.Ltmp4:
0x134: {  	_ = 	snop;
	(pc) =	sbr.rel @p0 .LBB2_1-.Ltmp4, $3  }
0x135: {  	_ =	sdelay $0x1  }
0x136: {  	[sflag:s19] =	ssyncset.done $0x0  }
0x137: {  	[sflag:s19] =	ssyncadd.s32 $0xFFFFA000  }
0x138: {  	_ =	sfence.sel $0x180000  }
0x139: {  	[bflag:$0x0] =	sbarrier.arrive $0xFFFF  }
0x13a: {  	_ =	strace $0x9000004A  }
0x13b: {  	s0 =	stileid.u32;
	[bflag:$0x2] =	sbarrier.arrive $0xFFFF  }
0x13c: {  	p0 =	sne.s32 s0, $0x0;
	s0 =	rddreg [dreg:$0x3]  }
0x13d: {  	s0 =	sadd.s32 @!p0 $0x100000, s0  }
0x13e: {  	[sflag:s0] =	ssyncadd.tile.s32 @!p0 $0x1;
	_ =	shalt  }
.Lfunc_end2:
_tile_overlayer_lowered:
.L_overlay_start_2:
0x13f: {  	(tag) =	ssettag $0x2  }
0x140: {  	s0 =	rddreg [dreg:$0x0];
	s2 =	stileid.u32  }
0x141: {  	s1 =	rddreg [dreg:$0x1];
	p0 =	sne.s32 s2, $0x0  }
0x142: {  	s3 =	rddreg [dreg:$0x2];
	[bflag:$0x3] =	sbarrier.arrive $0xFFFF;
	s2 =	simm.s32 @!p0 $0x1C03  }
0x143: {  	[timem:s3], [sflag:s2] =	dma.local @!p0 [hbm:s0], s1  }
0x144: {  	s0 =	simm.s32 @!p0 $0x3  }
0x145: {  	_ =	swait.ge @!p0 [sflag:s0], s1  }
0x146: {  	s1 =	ssub.s32 @!p0 $0x0, s1;
	[sflag:s0] =	ssyncset.done @!p0 $0x0  }
0x147: {  	[sflag:s0] =	ssyncadd.s32 @!p0 s1  }
0x148: {  	[bflag:$0x3] =	sbarrier.arrive $0xFFFF  }
0x149: {  	_ =	shalt  }

</sc_bundles>
